<compile_context>
chip_gen: v7x
topology: tpu7x:2x2x1
jax: 0.10.2.dev20260603
libtpu: 0.0.44.dev20260713+nightly
codegen_flags: <defaults>
</compile_context>

<pallas_src>
import functools

import jax
import jax.numpy as jnp
from jax import lax
from jax.experimental import pallas as pl
from jax.experimental.pallas import tpu as pltpu
from jax.experimental.pallas import tpu_sc as plsc

_MAX_DIST2 = 0.25

_VP = 7168
_VPT = 6912
_FP = 13824
_FT = _FP // 32
_ROWS, _COLS = 168, 128
_TQ = 1024


def _sc_normals_body(vx_h, vy_h, vz_h, f0_h, f1_h, f2_h, z_h, r_h, out_h,
                     vx_v, vy_v, vz_v, acc_v, f0_v, f1_v, f2_v, r_v,
                     shared_v):
    bs = vx_h.shape[0] // _VP
    arows = bs * _ROWS
    cid = lax.axis_index("c")
    sid = lax.axis_index("s")
    base = (cid * 16 + sid) * _FT

    pltpu.sync_copy(r_h, r_v)
    pltpu.sync_copy(z_h, acc_v)

    for b in range(bs):
        pltpu.sync_copy(vx_h.at[pl.ds(b * _VP, _VP)], vx_v)
        pltpu.sync_copy(vy_h.at[pl.ds(b * _VP, _VP)], vy_v)
        pltpu.sync_copy(vz_h.at[pl.ds(b * _VP, _VP)], vz_v)
        pltpu.sync_copy(f0_h.at[pl.ds(b * _FP + base, _FT)], f0_v)
        pltpu.sync_copy(f1_h.at[pl.ds(b * _FP + base, _FT)], f1_v)
        pltpu.sync_copy(f2_h.at[pl.ds(b * _FP + base, _FT)], f2_v)

        def _faces(j, carry):
            i0 = f0_v[pl.ds(j * 16, 16)]
            i1 = f1_v[pl.ds(j * 16, 16)]
            i2 = f2_v[pl.ds(j * 16, 16)]
            v0x = plsc.load_gather(vx_v, [i0])
            v0y = plsc.load_gather(vy_v, [i0])
            v0z = plsc.load_gather(vz_v, [i0])
            v1x = plsc.load_gather(vx_v, [i1])
            v1y = plsc.load_gather(vy_v, [i1])
            v1z = plsc.load_gather(vz_v, [i1])
            v2x = plsc.load_gather(vx_v, [i2])
            v2y = plsc.load_gather(vy_v, [i2])
            v2z = plsc.load_gather(vz_v, [i2])
            e1x, e1y, e1z = v1x - v0x, v1y - v0y, v1z - v0z
            e2x, e2y, e2z = v2x - v0x, v2y - v0y, v2z - v0z
            fnx = e1y * e2z - e1z * e2y
            fny = e1z * e2x - e1x * e2z
            fnz = e1x * e2y - e1y * e2x
            for comp, fv in ((0, fnx), (1, fny), (2, fnz)):
                for idx in (i0, i1, i2):
                    flat = idx + (b * 3 + comp) * _VP
                    plsc.addupdate_scatter(
                        acc_v, [flat // _COLS, flat % _COLS], fv)
            return carry
        lax.fori_loop(0, _FT // 16, _faces, 0)

    @pl.when(sid == 0)
    def _():
        pltpu.sync_copy(acc_v, shared_v)

    plsc.subcore_barrier()

    @pl.when(sid != 0)
    def _():
        nch, csz = r_h.shape
        for c in range(nch):
            pltpu.sync_copy(acc_v.at[pl.ds(c * csz, csz)],
                            shared_v.at[r_v.at[c]], add=True)

    plsc.subcore_barrier()

    @pl.when(sid == 0)
    def _():
        for b in range(bs):
            pltpu.sync_copy(shared_v.at[pl.ds(b * _ROWS, _ROWS)],
                            out_h.at[b * 2 + cid])


def _sc_normals(vx, vy, vz, f0, f1, f2):
    bs = vx.shape[0] // _VP
    arows = bs * _ROWS
    zeros = jnp.zeros((arows, _COLS), jnp.float32)
    csz = max(c for c in range(8, 129, 8) if arows % c == 0)
    mesh = plsc.VectorSubcoreMesh(core_axis_name="c", subcore_axis_name="s",
                                  num_cores=2, num_subcores=16)
    fn = pl.kernel(
        _sc_normals_body,
        out_type=jax.ShapeDtypeStruct((bs * 2, _ROWS, _COLS), jnp.float32),
        mesh=mesh,
        compiler_params=pltpu.CompilerParams(needs_layout_passes=False),
        scratch_types=[
            pltpu.VMEM((_VP,), jnp.float32),
            pltpu.VMEM((_VP,), jnp.float32),
            pltpu.VMEM((_VP,), jnp.float32),
            pltpu.VMEM((arows, _COLS), jnp.float32),
            pltpu.VMEM((_FT,), jnp.int32),
            pltpu.VMEM((_FT,), jnp.int32),
            pltpu.VMEM((_FT,), jnp.int32),
            pltpu.VMEM((arows // csz, csz), jnp.int32),
            pltpu.VMEM_SHARED((arows, _COLS), jnp.float32),
        ],
    )
    rows = jnp.arange(arows, dtype=jnp.int32).reshape(arows // csz, csz)
    return fn(vx, vy, vz, f0, f1, f2, zeros, rows)


def _tc_body(q_ref, a_ref, vn_ref, out_ref, *, nt):
    i = pl.program_id(1)
    a3 = a_ref[0, 0:3]
    vnp = vn_ref[0]
    vn3 = vnp[0:3] + vnp[8:11]
    q = q_ref[0]
    dx = q[:, 0:1] - a3[0:1, :]
    dy = q[:, 1:2] - a3[1:2, :]
    dz = q[:, 2:3] - a3[2:3, :]
    d2 = dx * dx + dy * dy + dz * dz
    m = jnp.min(d2, axis=1, keepdims=True)
    sel = jnp.where(d2 == m, 1.0, 0.0)
    an_t = jnp.concatenate([a3, vn3], axis=0)
    ansel = lax.dot_general(sel, an_t, (((1,), (1,)), ((), ())),
                            preferred_element_type=jnp.float32)
    diff = q[:, 0:3] - ansel[:, 0:3]
    dotv = jnp.sum(diff * ansel[:, 3:6], axis=1, keepdims=True)
    l2 = jnp.sqrt(m + 1e-20)
    coll = jnp.where((l2 <= 0.5) & (dotv < 0.0), 1.0, 0.0)
    cnt = jnp.sum(coll)

    @pl.when(i == 0)
    def _():
        out_ref[0, 0, 0] = 0.0
        out_ref[0, 1, 0] = 0.0

    @pl.when(i < nt // 2)
    def _():
        out_ref[0, 0, 0] += cnt

    @pl.when(i >= nt // 2)
    def _():
        out_ref[0, 1, 0] += cnt


def _tc_collisions(q, a_t, vnp):
    bs, ng = q.shape[0], q.shape[1]
    nt = ng // _TQ
    return pl.pallas_call(
        functools.partial(_tc_body, nt=nt),
        grid=(bs, nt),
        in_specs=[
            pl.BlockSpec((1, _TQ, 8), lambda b, i: (b, i, 0)),
            pl.BlockSpec((1, 8, _VPT), lambda b, i: (b, 0, 0)),
            pl.BlockSpec((1, 16, _VPT), lambda b, i: (b, 0, 0)),
        ],
        out_specs=pl.BlockSpec((1, 2, 1), lambda b, i: (b, 0, 0),
                               memory_space=pltpu.SMEM),
        out_shape=jax.ShapeDtypeStruct((bs, 2, 1), jnp.float32),
    )(q, a_t, vnp)[:, :, 0]


def kernel(pred, target, indices, indices_type, faces, h_state, h_faces):
    bs, ng = pred.shape[0], pred.shape[1]
    nh = h_state.shape[1]

    q = jnp.concatenate(
        [pred.astype(jnp.float32), jnp.zeros((bs, ng, 5), jnp.float32)],
        axis=-1)
    a = jnp.transpose(h_state[:, :, :3].astype(jnp.float32), (0, 2, 1))
    a_pad = jnp.pad(a, ((0, 0), (0, 0), (0, _VPT - nh)),
                    constant_values=1e4)
    a_t = jnp.pad(a_pad, ((0, 0), (0, 5), (0, 0)))
    v_pad = jnp.pad(a, ((0, 0), (0, 0), (0, _VP - nh)))
    vx = v_pad[:, 0].reshape(-1)
    vy = v_pad[:, 1].reshape(-1)
    vz = v_pad[:, 2].reshape(-1)
    f_t = jnp.transpose(h_faces, (0, 2, 1)).astype(jnp.int32)
    f_t = jnp.pad(f_t, ((0, 0), (0, 0), (0, _FP - f_t.shape[2])),
                  constant_values=nh)
    f0 = f_t[:, 0].reshape(-1)
    f1 = f_t[:, 1].reshape(-1)
    f2 = f_t[:, 2].reshape(-1)

    vparts = _sc_normals(vx, vy, vz, f0, f1, f2)
    vparts = vparts.reshape(bs, 2, 3, _VP)[:, :, :, :_VPT]
    vparts = jnp.pad(vparts, ((0, 0), (0, 0), (0, 5), (0, 0)))
    vnp = vparts.reshape(bs, 16, _VPT)

    counts = _tc_collisions(q, a_t, vnp)

    total = indices[:, -1].astype(jnp.float32)
    first, second = counts[:, 0], counts[:, 1]
    g2h = jnp.mean((first + second) / total)
    top = jnp.mean(first * indices_type[:, 0, 0] / total)
    bottom = jnp.mean(second * indices_type[:, 1, 1] / total)
    return jnp.stack([bottom, g2h, top])

# --- scband reference (transcript-rebuilt; emitter-appended) ---
"""Pipeline reference for scband-collision-accuracy-41721312313866 (READ-ONLY COPY).

The authoritative reference and input builder live on the scoring server;
editing this copy changes nothing except your own understanding.
"""

import jax, jax.numpy as jnp
import numpy as np

GARMENT_TYPE = ["top", "bottom", "dress", "skirt", "outer"]
MAX_DIST = 0.5


def vertex_normal_batched_simple(verts, faces):
    # verts: [B, N, 3], faces: [B, F, 3] int (same topology across batch)
    f = faces[0]
    v0 = verts[:, f[:, 0]]
    v1 = verts[:, f[:, 1]]
    v2 = verts[:, f[:, 2]]
    fn = jnp.cross(v1 - v0, v2 - v0)  # [B, F, 3] face normals
    vn = jnp.zeros_like(verts)
    vn = vn.at[:, f[:, 0]].add(fn)
    vn = vn.at[:, f[:, 1]].add(fn)
    vn = vn.at[:, f[:, 2]].add(fn)
    vn = vn / (jnp.linalg.norm(vn, axis=-1, keepdims=True) + 1e-8)
    return vn  # [B, N, 3]


def query_and_group(anchor_xyz, query_xyz, features):
    # QueryAndGroup(max_radius=None, sample_num=1): 1-NN query.
    # anchor_xyz [B,N,3], query_xyz [B,M,3], features [B,C,N]
    d2 = jnp.sum((query_xyz[:, :, None, :] - anchor_xyz[:, None, :, :]) ** 2, axis=-1)  # [B,M,N]
    idx = jnp.argmin(d2, axis=-1)  # [B,M]
    g_xyz = jnp.take_along_axis(anchor_xyz, idx[:, :, None], axis=1)  # [B,M,3]
    g_xyz = jnp.transpose(g_xyz, (0, 2, 1))[..., None]  # [B,3,M,1]
    g_feat = jnp.take_along_axis(features, idx[:, None, :], axis=2)  # [B,C,M]
    g_feat = g_feat[..., None]  # [B,C,M,1]
    return g_feat, g_xyz


def accuracy_collision_count(query_mesh, anchor_mesh, anchor_normals, max_dist=MAX_DIST):
    grouped_normals, grouped_xyz = query_and_group(anchor_mesh, query_mesh, anchor_normals)
    grouped_diff = jnp.transpose(query_mesh, (0, 2, 1))[..., None] - grouped_xyz  # [B,3,M,1]
    grouped_normals = jnp.transpose(grouped_normals, (0, 2, 3, 1))  # [B,M,1,3]
    grouped_diff = jnp.transpose(grouped_diff, (0, 2, 3, 1))  # [B,M,1,3]
    grouped_diff_l2 = jnp.sqrt(jnp.sum(grouped_diff ** 2, axis=-1) + 1e-20)  # [B,M,1]
    dot = jnp.sum(grouped_diff * grouped_normals, axis=-1)  # [B,M,1]
    valid_mask = (grouped_diff_l2 <= max_dist).astype(dot.dtype)
    dot = dot * valid_mask
    collision_mask = (dot < 0).astype(jnp.float32)
    assert collision_mask.shape[-1] == 1
    collision_mask = collision_mask[..., 0]  # [B,M]
    num_collisions = jnp.sum(collision_mask, axis=-1, keepdims=True)  # [B,1]
    return num_collisions


def accuracy_collision(garment_mesh, indices, indices_type, faces, h_state, h_faces, prefix="accuracy_collision"):
    acc = {}
    Ng = garment_mesh.shape[0]
    garment_mesh = garment_mesh[None]  # [1,Ng,3]
    h_state3 = h_state[:, :3][None]  # [1,Nh,3]
    h_faces_b = h_faces[None]
    normals = vertex_normal_batched_simple(h_state3, h_faces_b)  # [1,Nh,3]
    normals_t = jnp.transpose(normals, (0, 2, 1))  # [1,3,Nh]
    total = indices[-1].astype(jnp.float32)
    cnt = accuracy_collision_count(garment_mesh, h_state3, normals_t)
    acc.setdefault(prefix + ".garment2human", []).append(cnt / total)
    n_bounds = indices.shape[0]
    seg_len = Ng // (n_bounds - 1)
    for i in range(1, n_bounds):
        g_type_idx = i - 1
        g_type = GARMENT_TYPE[g_type_idx]
        start, end = (i - 1) * seg_len, i * seg_len
        sub = garment_mesh[:, start:end]
        sub_cnt = accuracy_collision_count(sub, h_state3, normals_t) * indices_type[i - 1, g_type_idx]
        # NB: original divides by total verts (indices[-1]) here as well
        acc.setdefault(prefix + "." + g_type, []).append(sub_cnt / total)
    return {k: jnp.mean(jnp.stack(v)) for k, v in acc.items()}


def reference(pred, target, indices, indices_type, faces, h_state, h_faces):
    bs = pred.shape[0]
    rst = {}
    for i in range(bs):
        d = accuracy_collision(pred[i], indices[i], indices_type[i], faces[i], h_state[i], h_faces[i])
        for k, v in d.items():
            rst.setdefault(k, []).append(v)
    keys = sorted(rst.keys())
    out = jnp.stack([jnp.mean(jnp.stack(rst[k])) for k in keys])
    return out  # [n_keys] collision rates, sorted key order


def setup_inputs(seed: int = 0) -> dict:
    key = jax.random.key(seed)
    ks = jax.random.split(key, 8)
    bs, Ng, Nh, Fh, Fg = 2, 8192, 6890, 13776, 16000
    pred = jax.random.normal(ks[0], (bs, Ng, 3), dtype=jnp.float32)
    target = jax.random.normal(ks[1], (bs, Ng, 3), dtype=jnp.float32)
    indices = jnp.tile(jnp.array([0, Ng // 2, Ng], dtype=jnp.int32)[None, :], (bs, 1))
    it = np.zeros((bs, 2, 5), dtype=np.float32)
    it[:, 0, 0] = 1.0
    it[:, 1, 1] = 1.0
    indices_type = jnp.asarray(it)
    faces = jax.random.randint(ks[2], (bs, Fg, 3), 0, Ng)
    h_state = jax.random.normal(ks[3], (bs, Nh, 6), dtype=jnp.float32)
    h_faces = jax.random.randint(ks[4], (bs, Fh, 3), 0, Nh)
    return {"pred": pred, "target": target, "indices": indices, "indices_type": indices_type, "faces": faces, "h_state": h_state, "h_faces": h_faces}


if False:  # reference __main__ guard neutralized (emitter)
    out = reference(**setup_inputs())
    print(out)

if __name__ == "__main__":
    import jax
    _d = setup_inputs()
    print(jax.jit(kernel)(*tuple(_d.values())))

</pallas_src>

<mosaic_0001>
#map = affine_map<(d0, d1) -> (0)>
#map1 = affine_map<(d0, d1) -> (0, 0)>
#map2 = affine_map<(d0, d1) -> (0, 0, 0)>
module attributes {stable_mosaic.version = 14 : i64} {
  func.func @_sc_normals_body(%arg0: i32, %arg1: i32, %arg2: memref<14336xf32, #tpu.memory_space<hbm>>, %arg3: memref<14336xf32, #tpu.memory_space<hbm>>, %arg4: memref<14336xf32, #tpu.memory_space<hbm>>, %arg5: memref<27648xi32, #tpu.memory_space<hbm>>, %arg6: memref<27648xi32, #tpu.memory_space<hbm>>, %arg7: memref<27648xi32, #tpu.memory_space<hbm>>, %arg8: memref<336x128xf32, #tpu.memory_space<hbm>>, %arg9: memref<3x112xi32, #tpu.memory_space<hbm>>, %arg10: memref<4x168x128xf32, #tpu.memory_space<hbm>>, %arg11: memref<7168xf32, #tpu.memory_space<vmem>>, %arg12: memref<7168xf32, #tpu.memory_space<vmem>>, %arg13: memref<7168xf32, #tpu.memory_space<vmem>>, %arg14: memref<336x128xf32, #tpu.memory_space<vmem>>, %arg15: memref<432xi32, #tpu.memory_space<vmem>>, %arg16: memref<432xi32, #tpu.memory_space<vmem>>, %arg17: memref<432xi32, #tpu.memory_space<vmem>>, %arg18: memref<3x112xi32, #tpu.memory_space<vmem>>, %arg19: memref<336x128xf32, #tpu.memory_space<vmem_shared>>) attributes {dimension_semantics = [#tpu.dimension_semantics<core_parallel>, #tpu.dimension_semantics<subcore_parallel>], iteration_bounds = array<i64: 2, 16>, scalar_prefetch = 0 : i64, scratch_operands = 9 : i64, tpu.core_type = #tpu.core_type<sc_vector_subcore>, window_params = [{transform_indices = #map}, {transform_indices = #map}, {transform_indices = #map}, {transform_indices = #map}, {transform_indices = #map}, {transform_indices = #map}, {transform_indices = #map1}, {transform_indices = #map1}, {transform_indices = #map2}]} {
    %mul3A = arith.constant 16 : i32
    %mul3A_0 = arith.muli %arg0, %mul3A : i32
    %add3A = arith.addi %mul3A_0, %arg1 : i32
    %mul3A_1 = arith.constant 432 : i32
    %mul3A_2 = arith.muli %add3A, %mul3A_1 : i32
    "tpu.region"() ({
      %run_scoped3A = tpu.sem_alloc : memref<!tpu.dma_semaphore, #tpu.memory_space<semaphore_mem>>
      tpu.enqueue_dma source(%arg9 : memref<3x112xi32, #tpu.memory_space<hbm>>) target(%arg18 : memref<3x112xi32, #tpu.memory_space<vmem>>) target_semaphore(%run_scoped3A : memref<!tpu.dma_semaphore, #tpu.memory_space<semaphore_mem>>)
      tpu.wait_dma2 semaphore(%run_scoped3A : memref<!tpu.dma_semaphore, #tpu.memory_space<semaphore_mem>>) src(%arg9 : memref<3x112xi32, #tpu.memory_space<hbm>>) dst(%arg18 : memref<3x112xi32, #tpu.memory_space<vmem>>)
      tpu.yield
    }) : () -> ()
    "tpu.region"() ({
      %run_scoped3A = tpu.sem_alloc : memref<!tpu.dma_semaphore, #tpu.memory_space<semaphore_mem>>
      tpu.enqueue_dma source(%arg8 : memref<336x128xf32, #tpu.memory_space<hbm>>) target(%arg14 : memref<336x128xf32, #tpu.memory_space<vmem>>) target_semaphore(%run_scoped3A : memref<!tpu.dma_semaphore, #tpu.memory_space<semaphore_mem>>)
      tpu.wait_dma2 semaphore(%run_scoped3A : memref<!tpu.dma_semaphore, #tpu.memory_space<semaphore_mem>>) src(%arg8 : memref<336x128xf32, #tpu.memory_space<hbm>>) dst(%arg14 : memref<336x128xf32, #tpu.memory_space<vmem>>)
      tpu.yield
    }) : () -> ()
    "tpu.region"() ({
      %run_scoped3A = tpu.sem_alloc : memref<!tpu.dma_semaphore, #tpu.memory_space<semaphore_mem>>
      %dma_start3A = arith.constant 0 : i32
      %dma_start3A_38 = tpu.memref_slice %arg2[%dma_start3A] : memref<14336xf32, #tpu.memory_space<hbm>> -> memref<7168xf32, #tpu.memory_space<hbm>>
      %dma_start3A_39 = arith.constant 0 : i32
      %dma_start3A_40 = tpu.memref_slice %arg2[%dma_start3A_39] : memref<14336xf32, #tpu.memory_space<hbm>> -> memref<7168xf32, #tpu.memory_space<hbm>>
      tpu.enqueue_dma source(%dma_start3A_40 : memref<7168xf32, #tpu.memory_space<hbm>>) target(%arg11 : memref<7168xf32, #tpu.memory_space<vmem>>) target_semaphore(%run_scoped3A : memref<!tpu.dma_semaphore, #tpu.memory_space<semaphore_mem>>)
      %dma_wait3A = arith.constant 0 : i32
      %dma_wait3A_41 = tpu.memref_slice %arg2[%dma_wait3A] : memref<14336xf32, #tpu.memory_space<hbm>> -> memref<7168xf32, #tpu.memory_space<hbm>>
      %dma_wait3A_42 = arith.constant 0 : i32
      %dma_wait3A_43 = tpu.memref_slice %arg2[%dma_wait3A_42] : memref<14336xf32, #tpu.memory_space<hbm>> -> memref<7168xf32, #tpu.memory_space<hbm>>
      tpu.wait_dma2 semaphore(%run_scoped3A : memref<!tpu.dma_semaphore, #tpu.memory_space<semaphore_mem>>) src(%dma_wait3A_43 : memref<7168xf32, #tpu.memory_space<hbm>>) dst(%arg11 : memref<7168xf32, #tpu.memory_space<vmem>>)
      tpu.yield
    }) : () -> ()
    "tpu.region"() ({
      %run_scoped3A = tpu.sem_alloc : memref<!tpu.dma_semaphore, #tpu.memory_space<semaphore_mem>>
      %dma_start3A = arith.constant 0 : i32
      %dma_start3A_38 = tpu.memref_slice %arg3[%dma_start3A] : memref<14336xf32, #tpu.memory_space<hbm>> -> memref<7168xf32, #tpu.memory_space<hbm>>
      %dma_start3A_39 = arith.constant 0 : i32
      %dma_start3A_40 = tpu.memref_slice %arg3[%dma_start3A_39] : memref<14336xf32, #tpu.memory_space<hbm>> -> memref<7168xf32, #tpu.memory_space<hbm>>
      tpu.enqueue_dma source(%dma_start3A_40 : memref<7168xf32, #tpu.memory_space<hbm>>) target(%arg12 : memref<7168xf32, #tpu.memory_space<vmem>>) target_semaphore(%run_scoped3A : memref<!tpu.dma_semaphore, #tpu.memory_space<semaphore_mem>>)
      %dma_wait3A = arith.constant 0 : i32
      %dma_wait3A_41 = tpu.memref_slice %arg3[%dma_wait3A] : memref<14336xf32, #tpu.memory_space<hbm>> -> memref<7168xf32, #tpu.memory_space<hbm>>
      %dma_wait3A_42 = arith.constant 0 : i32
      %dma_wait3A_43 = tpu.memref_slice %arg3[%dma_wait3A_42] : memref<14336xf32, #tpu.memory_space<hbm>> -> memref<7168xf32, #tpu.memory_space<hbm>>
      tpu.wait_dma2 semaphore(%run_scoped3A : memref<!tpu.dma_semaphore, #tpu.memory_space<semaphore_mem>>) src(%dma_wait3A_43 : memref<7168xf32, #tpu.memory_space<hbm>>) dst(%arg12 : memref<7168xf32, #tpu.memory_space<vmem>>)
      tpu.yield
    }) : () -> ()
    "tpu.region"() ({
      %run_scoped3A = tpu.sem_alloc : memref<!tpu.dma_semaphore, #tpu.memory_space<semaphore_mem>>
      %dma_start3A = arith.constant 0 : i32
      %dma_start3A_38 = tpu.memref_slice %arg4[%dma_start3A] : memref<14336xf32, #tpu.memory_space<hbm>> -> memref<7168xf32, #tpu.memory_space<hbm>>
      %dma_start3A_39 = arith.constant 0 : i32
      %dma_start3A_40 = tpu.memref_slice %arg4[%dma_start3A_39] : memref<14336xf32, #tpu.memory_space<hbm>> -> memref<7168xf32, #tpu.memory_space<hbm>>
      tpu.enqueue_dma source(%dma_start3A_40 : memref<7168xf32, #tpu.memory_space<hbm>>) target(%arg13 : memref<7168xf32, #tpu.memory_space<vmem>>) target_semaphore(%run_scoped3A : memref<!tpu.dma_semaphore, #tpu.memory_space<semaphore_mem>>)
      %dma_wait3A = arith.constant 0 : i32
      %dma_wait3A_41 = tpu.memref_slice %arg4[%dma_wait3A] : memref<14336xf32, #tpu.memory_space<hbm>> -> memref<7168xf32, #tpu.memory_space<hbm>>
      %dma_wait3A_42 = arith.constant 0 : i32
      %dma_wait3A_43 = tpu.memref_slice %arg4[%dma_wait3A_42] : memref<14336xf32, #tpu.memory_space<hbm>> -> memref<7168xf32, #tpu.memory_space<hbm>>
      tpu.wait_dma2 semaphore(%run_scoped3A : memref<!tpu.dma_semaphore, #tpu.memory_space<semaphore_mem>>) src(%dma_wait3A_43 : memref<7168xf32, #tpu.memory_space<hbm>>) dst(%arg13 : memref<7168xf32, #tpu.memory_space<vmem>>)
      tpu.yield
    }) : () -> ()
    %add3A_3 = arith.constant 0 : i32
    %add3A_4 = arith.addi %add3A_3, %mul3A_2 : i32
    "tpu.region"() ({
      %run_scoped3A = tpu.sem_alloc : memref<!tpu.dma_semaphore, #tpu.memory_space<semaphore_mem>>
      %dma_start3A = tpu.memref_slice %arg5[%add3A_4] : memref<27648xi32, #tpu.memory_space<hbm>> -> memref<432xi32, #tpu.memory_space<hbm>>
      %dma_start3A_38 = tpu.memref_slice %arg5[%add3A_4] : memref<27648xi32, #tpu.memory_space<hbm>> -> memref<432xi32, #tpu.memory_space<hbm>>
      tpu.enqueue_dma source(%dma_start3A_38 : memref<432xi32, #tpu.memory_space<hbm>>) target(%arg15 : memref<432xi32, #tpu.memory_space<vmem>>) target_semaphore(%run_scoped3A : memref<!tpu.dma_semaphore, #tpu.memory_space<semaphore_mem>>)
      %dma_wait3A = tpu.memref_slice %arg5[%add3A_4] : memref<27648xi32, #tpu.memory_space<hbm>> -> memref<432xi32, #tpu.memory_space<hbm>>
      %dma_wait3A_39 = tpu.memref_slice %arg5[%add3A_4] : memref<27648xi32, #tpu.memory_space<hbm>> -> memref<432xi32, #tpu.memory_space<hbm>>
      tpu.wait_dma2 semaphore(%run_scoped3A : memref<!tpu.dma_semaphore, #tpu.memory_space<semaphore_mem>>) src(%dma_wait3A_39 : memref<432xi32, #tpu.memory_space<hbm>>) dst(%arg15 : memref<432xi32, #tpu.memory_space<vmem>>)
      tpu.yield
    }) : () -> ()
    %add3A_5 = arith.constant 0 : i32
    %add3A_6 = arith.addi %add3A_5, %mul3A_2 : i32
    "tpu.region"() ({
      %run_scoped3A = tpu.sem_alloc : memref<!tpu.dma_semaphore, #tpu.memory_space<semaphore_mem>>
      %dma_start3A = tpu.memref_slice %arg6[%add3A_6] : memref<27648xi32, #tpu.memory_space<hbm>> -> memref<432xi32, #tpu.memory_space<hbm>>
      %dma_start3A_38 = tpu.memref_slice %arg6[%add3A_6] : memref<27648xi32, #tpu.memory_space<hbm>> -> memref<432xi32, #tpu.memory_space<hbm>>
      tpu.enqueue_dma source(%dma_start3A_38 : memref<432xi32, #tpu.memory_space<hbm>>) target(%arg16 : memref<432xi32, #tpu.memory_space<vmem>>) target_semaphore(%run_scoped3A : memref<!tpu.dma_semaphore, #tpu.memory_space<semaphore_mem>>)
      %dma_wait3A = tpu.memref_slice %arg6[%add3A_6] : memref<27648xi32, #tpu.memory_space<hbm>> -> memref<432xi32, #tpu.memory_space<hbm>>
      %dma_wait3A_39 = tpu.memref_slice %arg6[%add3A_6] : memref<27648xi32, #tpu.memory_space<hbm>> -> memref<432xi32, #tpu.memory_space<hbm>>
      tpu.wait_dma2 semaphore(%run_scoped3A : memref<!tpu.dma_semaphore, #tpu.memory_space<semaphore_mem>>) src(%dma_wait3A_39 : memref<432xi32, #tpu.memory_space<hbm>>) dst(%arg16 : memref<432xi32, #tpu.memory_space<vmem>>)
      tpu.yield
    }) : () -> ()
    %add3A_7 = arith.constant 0 : i32
    %add3A_8 = arith.addi %add3A_7, %mul3A_2 : i32
    "tpu.region"() ({
      %run_scoped3A = tpu.sem_alloc : memref<!tpu.dma_semaphore, #tpu.memory_space<semaphore_mem>>
      %dma_start3A = tpu.memref_slice %arg7[%add3A_8] : memref<27648xi32, #tpu.memory_space<hbm>> -> memref<432xi32, #tpu.memory_space<hbm>>
      %dma_start3A_38 = tpu.memref_slice %arg7[%add3A_8] : memref<27648xi32, #tpu.memory_space<hbm>> -> memref<432xi32, #tpu.memory_space<hbm>>
      tpu.enqueue_dma source(%dma_start3A_38 : memref<432xi32, #tpu.memory_space<hbm>>) target(%arg17 : memref<432xi32, #tpu.memory_space<vmem>>) target_semaphore(%run_scoped3A : memref<!tpu.dma_semaphore, #tpu.memory_space<semaphore_mem>>)
      %dma_wait3A = tpu.memref_slice %arg7[%add3A_8] : memref<27648xi32, #tpu.memory_space<hbm>> -> memref<432xi32, #tpu.memory_space<hbm>>
      %dma_wait3A_39 = tpu.memref_slice %arg7[%add3A_8] : memref<27648xi32, #tpu.memory_space<hbm>> -> memref<432xi32, #tpu.memory_space<hbm>>
      tpu.wait_dma2 semaphore(%run_scoped3A : memref<!tpu.dma_semaphore, #tpu.memory_space<semaphore_mem>>) src(%dma_wait3A_39 : memref<432xi32, #tpu.memory_space<hbm>>) dst(%arg17 : memref<432xi32, #tpu.memory_space<vmem>>)
      tpu.yield
    }) : () -> ()
    %scan3A = arith.constant 0 : i32
    %scan3A_9 = arith.constant 0 : i32
    %scan3A_10 = arith.constant 27 : i32
    %scan3A_11 = arith.addi %scan3A_9, %scan3A_10 : i32
    %scan3A_12 = arith.constant 1 : i32
    scf.for %scan3A_38 = %scan3A_9 to %scan3A_11 step %scan3A_12  : i32 {
      %mul3A_39 = arith.constant 16 : i32
      %mul3A_40 = arith.muli %scan3A_38, %mul3A_39 : i32
      %get3A = arith.index_cast %mul3A_40 : i32 to index
      %get3A_41 = tpu.vector_load %arg15[%get3A] {strides = array<i32>} : memref<432xi32, #tpu.memory_space<vmem>>, vector<16xi32>,
      %mul3A_42 = arith.constant 16 : i32
      %mul3A_43 = arith.muli %scan3A_38, %mul3A_42 : i32
      %get3A_44 = arith.index_cast %mul3A_43 : i32 to index
      %get3A_45 = tpu.vector_load %arg16[%get3A_44] {strides = array<i32>} : memref<432xi32, #tpu.memory_space<vmem>>, vector<16xi32>,
      %mul3A_46 = arith.constant 16 : i32
      %mul3A_47 = arith.muli %scan3A_38, %mul3A_46 : i32
      %get3A_48 = arith.index_cast %mul3A_47 : i32 to index
      %get3A_49 = tpu.vector_load %arg17[%get3A_48] {strides = array<i32>} : memref<432xi32, #tpu.memory_space<vmem>>, vector<16xi32>,
      %gather3A = tpu.vector_load_idx %arg11[%get3A_41] : memref<7168xf32, #tpu.memory_space<vmem>>[vector<16xi32>], vector<16xf32>,
      %gather3A_50 = tpu.vector_load_idx %arg12[%get3A_41] : memref<7168xf32, #tpu.memory_space<vmem>>[vector<16xi32>], vector<16xf32>,
      %gather3A_51 = tpu.vector_load_idx %arg13[%get3A_41] : memref<7168xf32, #tpu.memory_space<vmem>>[vector<16xi32>], vector<16xf32>,
      %gather3A_52 = tpu.vector_load_idx %arg11[%get3A_45] : memref<7168xf32, #tpu.memory_space<vmem>>[vector<16xi32>], vector<16xf32>,
      %gather3A_53 = tpu.vector_load_idx %arg12[%get3A_45] : memref<7168xf32, #tpu.memory_space<vmem>>[vector<16xi32>], vector<16xf32>,
      %gather3A_54 = tpu.vector_load_idx %arg13[%get3A_45] : memref<7168xf32, #tpu.memory_space<vmem>>[vector<16xi32>], vector<16xf32>,
      %gather3A_55 = tpu.vector_load_idx %arg11[%get3A_49] : memref<7168xf32, #tpu.memory_space<vmem>>[vector<16xi32>], vector<16xf32>,
      %gather3A_56 = tpu.vector_load_idx %arg12[%get3A_49] : memref<7168xf32, #tpu.memory_space<vmem>>[vector<16xi32>], vector<16xf32>,
      %gather3A_57 = tpu.vector_load_idx %arg13[%get3A_49] : memref<7168xf32, #tpu.memory_space<vmem>>[vector<16xi32>], vector<16xf32>,
      %sub3A = arith.subf %gather3A_52, %gather3A : vector<16xf32>
      %sub3A_58 = arith.subf %gather3A_53, %gather3A_50 : vector<16xf32>
      %sub3A_59 = arith.subf %gather3A_54, %gather3A_51 : vector<16xf32>
      %sub3A_60 = arith.subf %gather3A_55, %gather3A : vector<16xf32>
      %sub3A_61 = arith.subf %gather3A_56, %gather3A_50 : vector<16xf32>
      %sub3A_62 = arith.subf %gather3A_57, %gather3A_51 : vector<16xf32>
      %mul3A_63 = arith.mulf %sub3A_58, %sub3A_62 : vector<16xf32>
      %mul3A_64 = arith.mulf %sub3A_59, %sub3A_61 : vector<16xf32>
      %sub3A_65 = arith.subf %mul3A_63, %mul3A_64 : vector<16xf32>
      %mul3A_66 = arith.mulf %sub3A_59, %sub3A_60 : vector<16xf32>
      %mul3A_67 = arith.mulf %sub3A, %sub3A_62 : vector<16xf32>
      %sub3A_68 = arith.subf %mul3A_66, %mul3A_67 : vector<16xf32>
      %mul3A_69 = arith.mulf %sub3A, %sub3A_61 : vector<16xf32>
      %mul3A_70 = arith.mulf %sub3A_58, %sub3A_60 : vector<16xf32>
      %sub3A_71 = arith.subf %mul3A_69, %mul3A_70 : vector<16xf32>
      %add3A_72 = arith.constant 0 : i32
      %add3A_73 = vector.broadcast %add3A_72 : i32 to vector<16xi32>
      %add3A_74 = arith.addi %get3A_41, %add3A_73 : vector<16xi32>
      %jit3A = arith.constant 128 : i32
      %div3A = vector.broadcast %jit3A : i32 to vector<16xi32>
      %div3A_75 = arith.divsi %add3A_74, %div3A : vector<16xi32>
      %sign3A = arith.constant 0 : i32
      %sign3A_76 = vector.broadcast %sign3A : i32 to vector<16xi32>
      %sign3A_77 = arith.cmpi sgt, %add3A_74, %sign3A_76 : vector<16xi32>
      %sign3A_78 = arith.extui %sign3A_77 : vector<16xi1> to vector<16xi32>
      %sign3A_79 = arith.constant 0 : i32
      %sign3A_80 = vector.broadcast %sign3A_79 : i32 to vector<16xi32>
      %sign3A_81 = arith.cmpi slt, %add3A_74, %sign3A_80 : vector<16xi32>
      %sign3A_82 = arith.extui %sign3A_81 : vector<16xi1> to vector<16xi32>
      %sign3A_83 = arith.subi %sign3A_78, %sign3A_82 : vector<16xi32>
      %sign3A_84 = arith.constant 0 : i32
      %sign3A_85 = arith.cmpi sgt, %jit3A, %sign3A_84 : i32
      %sign3A_86 = arith.extui %sign3A_85 : i1 to i32
      %sign3A_87 = arith.constant 0 : i32
      %sign3A_88 = arith.cmpi slt, %jit3A, %sign3A_87 : i32
      %sign3A_89 = arith.extui %sign3A_88 : i1 to i32
      %sign3A_90 = arith.subi %sign3A_86, %sign3A_89 : i32
      %ne3A_91 = vector.broadcast %sign3A_90 : i32 to vector<16xi32>
      %ne3A_92 = arith.cmpi ne, %sign3A_83, %ne3A_91 : vector<16xi32>
      %rem3A = vector.broadcast %jit3A : i32 to vector<16xi32>
      %rem3A_93 = arith.remsi %add3A_74, %rem3A : vector<16xi32>
      %ne3A_94 = arith.constant 0 : i32
      %ne3A_95 = vector.broadcast %ne3A_94 : i32 to vector<16xi32>
      %ne3A_96 = arith.cmpi ne, %rem3A_93, %ne3A_95 : vector<16xi32>
      %and3A = arith.andi %ne3A_92, %ne3A_96 : vector<16xi1>
      %sub3A_97 = arith.constant 1 : i32
      %sub3A_98 = vector.broadcast %sub3A_97 : i32 to vector<16xi32>
      %sub3A_99 = arith.subi %div3A_75, %sub3A_98 : vector<16xi32>
      %select_n3A = arith.select %and3A, %sub3A_99, %div3A_75 : vector<16xi1>, vector<16xi32>
      %jit3A_100 = arith.constant 128 : i32
      %eq3A_101 = arith.constant 0 : i32
      %eq3A_102 = arith.cmpi eq, %jit3A_100, %eq3A_101 : i32
      %jit3A_103 = arith.constant 1 : i32
      %select_n3A_104 = arith.select %eq3A_102, %jit3A_103, %jit3A_100 : i32
      %rem3A_105 = vector.broadcast %select_n3A_104 : i32 to vector<16xi32>
      %rem3A_106 = arith.remsi %add3A_74, %rem3A_105 : vector<16xi32>
      %ne3A_107 = arith.constant 0 : i32
      %ne3A_108 = vector.broadcast %ne3A_107 : i32 to vector<16xi32>
      %ne3A_109 = arith.cmpi ne, %rem3A_106, %ne3A_108 : vector<16xi32>
      %lt3A = arith.constant 0 : i32
      %lt3A_110 = vector.broadcast %lt3A : i32 to vector<16xi32>
      %lt3A_111 = arith.cmpi slt, %rem3A_106, %lt3A_110 : vector<16xi32>
      %lt3A_112 = arith.constant 0 : i32
      %lt3A_113 = arith.cmpi slt, %select_n3A_104, %lt3A_112 : i32
      %ne3A_114 = vector.broadcast %lt3A_113 : i1 to vector<16xi1>
      %ne3A_115 = vector.broadcast %ne3A_114 : vector<16xi1> to vector<16xi1>
      %ne3A_116 = arith.xori %lt3A_111, %ne3A_115 : vector<16xi1>
      %and3A_117 = arith.andi %ne3A_116, %ne3A_109 : vector<16xi1>
      %add3A_118 = vector.broadcast %select_n3A_104 : i32 to vector<16xi32>
      %add3A_119 = arith.addi %rem3A_106, %add3A_118 : vector<16xi32>
      %select_n3A_120 = arith.select %and3A_117, %add3A_119, %rem3A_106 : vector<16xi1>, vector<16xi32>
      tpu.vector_store_idx %arg14[%select_n3A, %select_n3A_120], %sub3A_65 {add = true} : memref<336x128xf32, #tpu.memory_space<vmem>>[vector<16xi32>, vector<16xi32>], vector<16xf32>,
      %add3A_121 = arith.constant 0 : i32
      %add3A_122 = vector.broadcast %add3A_121 : i32 to vector<16xi32>
      %add3A_123 = arith.addi %get3A_45, %add3A_122 : vector<16xi32>
      %jit3A_124 = arith.constant 128 : i32
      %div3A_125 = vector.broadcast %jit3A_124 : i32 to vector<16xi32>
      %div3A_126 = arith.divsi %add3A_123, %div3A_125 : vector<16xi32>
      %sign3A_127 = arith.constant 0 : i32
      %sign3A_128 = vector.broadcast %sign3A_127 : i32 to vector<16xi32>
      %sign3A_129 = arith.cmpi sgt, %add3A_123, %sign3A_128 : vector<16xi32>
      %sign3A_130 = arith.extui %sign3A_129 : vector<16xi1> to vector<16xi32>
      %sign3A_131 = arith.constant 0 : i32
      %sign3A_132 = vector.broadcast %sign3A_131 : i32 to vector<16xi32>
      %sign3A_133 = arith.cmpi slt, %add3A_123, %sign3A_132 : vector<16xi32>
      %sign3A_134 = arith.extui %sign3A_133 : vector<16xi1> to vector<16xi32>
      %sign3A_135 = arith.subi %sign3A_130, %sign3A_134 : vector<16xi32>
      %sign3A_136 = arith.constant 0 : i32
      %sign3A_137 = arith.cmpi sgt, %jit3A_124, %sign3A_136 : i32
      %sign3A_138 = arith.extui %sign3A_137 : i1 to i32
      %sign3A_139 = arith.constant 0 : i32
      %sign3A_140 = arith.cmpi slt, %jit3A_124, %sign3A_139 : i32
      %sign3A_141 = arith.extui %sign3A_140 : i1 to i32
      %sign3A_142 = arith.subi %sign3A_138, %sign3A_141 : i32
      %ne3A_143 = vector.broadcast %sign3A_142 : i32 to vector<16xi32>
      %ne3A_144 = arith.cmpi ne, %sign3A_135, %ne3A_143 : vector<16xi32>
      %rem3A_145 = vector.broadcast %jit3A_124 : i32 to vector<16xi32>
      %rem3A_146 = arith.remsi %add3A_123, %rem3A_145 : vector<16xi32>
      %ne3A_147 = arith.constant 0 : i32
      %ne3A_148 = vector.broadcast %ne3A_147 : i32 to vector<16xi32>
      %ne3A_149 = arith.cmpi ne, %rem3A_146, %ne3A_148 : vector<16xi32>
      %and3A_150 = arith.andi %ne3A_144, %ne3A_149 : vector<16xi1>
      %sub3A_151 = arith.constant 1 : i32
      %sub3A_152 = vector.broadcast %sub3A_151 : i32 to vector<16xi32>
      %sub3A_153 = arith.subi %div3A_126, %sub3A_152 : vector<16xi32>
      %select_n3A_154 = arith.select %and3A_150, %sub3A_153, %div3A_126 : vector<16xi1>, vector<16xi32>
      %jit3A_155 = arith.constant 128 : i32
      %eq3A_156 = arith.constant 0 : i32
      %eq3A_157 = arith.cmpi eq, %jit3A_155, %eq3A_156 : i32
      %jit3A_158 = arith.constant 1 : i32
      %select_n3A_159 = arith.select %eq3A_157, %jit3A_158, %jit3A_155 : i32
      %rem3A_160 = vector.broadcast %select_n3A_159 : i32 to vector<16xi32>
      %rem3A_161 = arith.remsi %add3A_123, %rem3A_160 : vector<16xi32>
      %ne3A_162 = arith.constant 0 : i32
      %ne3A_163 = vector.broadcast %ne3A_162 : i32 to vector<16xi32>
      %ne3A_164 = arith.cmpi ne, %rem3A_161, %ne3A_163 : vector<16xi32>
      %lt3A_165 = arith.constant 0 : i32
      %lt3A_166 = vector.broadcast %lt3A_165 : i32 to vector<16xi32>
      %lt3A_167 = arith.cmpi slt, %rem3A_161, %lt3A_166 : vector<16xi32>
      %lt3A_168 = arith.constant 0 : i32
      %lt3A_169 = arith.cmpi slt, %select_n3A_159, %lt3A_168 : i32
      %ne3A_170 = vector.broadcast %lt3A_169 : i1 to vector<16xi1>
      %ne3A_171 = vector.broadcast %ne3A_170 : vector<16xi1> to vector<16xi1>
      %ne3A_172 = arith.xori %lt3A_167, %ne3A_171 : vector<16xi1>
      %and3A_173 = arith.andi %ne3A_172, %ne3A_164 : vector<16xi1>
      %add3A_174 = vector.broadcast %select_n3A_159 : i32 to vector<16xi32>
      %add3A_175 = arith.addi %rem3A_161, %add3A_174 : vector<16xi32>
      %select_n3A_176 = arith.select %and3A_173, %add3A_175, %rem3A_161 : vector<16xi1>, vector<16xi32>
      tpu.vector_store_idx %arg14[%select_n3A_154, %select_n3A_176], %sub3A_65 {add = true} : memref<336x128xf32, #tpu.memory_space<vmem>>[vector<16xi32>, vector<16xi32>], vector<16xf32>,
      %add3A_177 = arith.constant 0 : i32
      %add3A_178 = vector.broadcast %add3A_177 : i32 to vector<16xi32>
      %add3A_179 = arith.addi %get3A_49, %add3A_178 : vector<16xi32>
      %jit3A_180 = arith.constant 128 : i32
      %div3A_181 = vector.broadcast %jit3A_180 : i32 to vector<16xi32>
      %div3A_182 = arith.divsi %add3A_179, %div3A_181 : vector<16xi32>
      %sign3A_183 = arith.constant 0 : i32
      %sign3A_184 = vector.broadcast %sign3A_183 : i32 to vector<16xi32>
      %sign3A_185 = arith.cmpi sgt, %add3A_179, %sign3A_184 : vector<16xi32>
      %sign3A_186 = arith.extui %sign3A_185 : vector<16xi1> to vector<16xi32>
      %sign3A_187 = arith.constant 0 : i32
      %sign3A_188 = vector.broadcast %sign3A_187 : i32 to vector<16xi32>
      %sign3A_189 = arith.cmpi slt, %add3A_179, %sign3A_188 : vector<16xi32>
      %sign3A_190 = arith.extui %sign3A_189 : vector<16xi1> to vector<16xi32>
      %sign3A_191 = arith.subi %sign3A_186, %sign3A_190 : vector<16xi32>
      %sign3A_192 = arith.constant 0 : i32
      %sign3A_193 = arith.cmpi sgt, %jit3A_180, %sign3A_192 : i32
      %sign3A_194 = arith.extui %sign3A_193 : i1 to i32
      %sign3A_195 = arith.constant 0 : i32
      %sign3A_196 = arith.cmpi slt, %jit3A_180, %sign3A_195 : i32
      %sign3A_197 = arith.extui %sign3A_196 : i1 to i32
      %sign3A_198 = arith.subi %sign3A_194, %sign3A_197 : i32
      %ne3A_199 = vector.broadcast %sign3A_198 : i32 to vector<16xi32>
      %ne3A_200 = arith.cmpi ne, %sign3A_191, %ne3A_199 : vector<16xi32>
      %rem3A_201 = vector.broadcast %jit3A_180 : i32 to vector<16xi32>
      %rem3A_202 = arith.remsi %add3A_179, %rem3A_201 : vector<16xi32>
      %ne3A_203 = arith.constant 0 : i32
      %ne3A_204 = vector.broadcast %ne3A_203 : i32 to vector<16xi32>
      %ne3A_205 = arith.cmpi ne, %rem3A_202, %ne3A_204 : vector<16xi32>
      %and3A_206 = arith.andi %ne3A_200, %ne3A_205 : vector<16xi1>
      %sub3A_207 = arith.constant 1 : i32
      %sub3A_208 = vector.broadcast %sub3A_207 : i32 to vector<16xi32>
      %sub3A_209 = arith.subi %div3A_182, %sub3A_208 : vector<16xi32>
      %select_n3A_210 = arith.select %and3A_206, %sub3A_209, %div3A_182 : vector<16xi1>, vector<16xi32>
      %jit3A_211 = arith.constant 128 : i32
      %eq3A_212 = arith.constant 0 : i32
      %eq3A_213 = arith.cmpi eq, %jit3A_211, %eq3A_212 : i32
      %jit3A_214 = arith.constant 1 : i32
      %select_n3A_215 = arith.select %eq3A_213, %jit3A_214, %jit3A_211 : i32
      %rem3A_216 = vector.broadcast %select_n3A_215 : i32 to vector<16xi32>
      %rem3A_217 = arith.remsi %add3A_179, %rem3A_216 : vector<16xi32>
      %ne3A_218 = arith.constant 0 : i32
      %ne3A_219 = vector.broadcast %ne3A_218 : i32 to vector<16xi32>
      %ne3A_220 = arith.cmpi ne, %rem3A_217, %ne3A_219 : vector<16xi32>
      %lt3A_221 = arith.constant 0 : i32
      %lt3A_222 = vector.broadcast %lt3A_221 : i32 to vector<16xi32>
      %lt3A_223 = arith.cmpi slt, %rem3A_217, %lt3A_222 : vector<16xi32>
      %lt3A_224 = arith.constant 0 : i32
      %lt3A_225 = arith.cmpi slt, %select_n3A_215, %lt3A_224 : i32
      %ne3A_226 = vector.broadcast %lt3A_225 : i1 to vector<16xi1>
      %ne3A_227 = vector.broadcast %ne3A_226 : vector<16xi1> to vector<16xi1>
      %ne3A_228 = arith.xori %lt3A_223, %ne3A_227 : vector<16xi1>
      %and3A_229 = arith.andi %ne3A_228, %ne3A_220 : vector<16xi1>
      %add3A_230 = vector.broadcast %select_n3A_215 : i32 to vector<16xi32>
      %add3A_231 = arith.addi %rem3A_217, %add3A_230 : vector<16xi32>
      %select_n3A_232 = arith.select %and3A_229, %add3A_231, %rem3A_217 : vector<16xi1>, vector<16xi32>
      tpu.vector_store_idx %arg14[%select_n3A_210, %select_n3A_232], %sub3A_65 {add = true} : memref<336x128xf32, #tpu.memory_space<vmem>>[vector<16xi32>, vector<16xi32>], vector<16xf32>,
      %add3A_233 = arith.constant 7168 : i32
      %add3A_234 = vector.broadcast %add3A_233 : i32 to vector<16xi32>
      %add3A_235 = arith.addi %get3A_41, %add3A_234 : vector<16xi32>
      %jit3A_236 = arith.constant 128 : i32
      %div3A_237 = vector.broadcast %jit3A_236 : i32 to vector<16xi32>
      %div3A_238 = arith.divsi %add3A_235, %div3A_237 : vector<16xi32>
      %sign3A_239 = arith.constant 0 : i32
      %sign3A_240 = vector.broadcast %sign3A_239 : i32 to vector<16xi32>
      %sign3A_241 = arith.cmpi sgt, %add3A_235, %sign3A_240 : vector<16xi32>
      %sign3A_242 = arith.extui %sign3A_241 : vector<16xi1> to vector<16xi32>
      %sign3A_243 = arith.constant 0 : i32
      %sign3A_244 = vector.broadcast %sign3A_243 : i32 to vector<16xi32>
      %sign3A_245 = arith.cmpi slt, %add3A_235, %sign3A_244 : vector<16xi32>
      %sign3A_246 = arith.extui %sign3A_245 : vector<16xi1> to vector<16xi32>
      %sign3A_247 = arith.subi %sign3A_242, %sign3A_246 : vector<16xi32>
      %sign3A_248 = arith.constant 0 : i32
      %sign3A_249 = arith.cmpi sgt, %jit3A_236, %sign3A_248 : i32
      %sign3A_250 = arith.extui %sign3A_249 : i1 to i32
      %sign3A_251 = arith.constant 0 : i32
      %sign3A_252 = arith.cmpi slt, %jit3A_236, %sign3A_251 : i32
      %sign3A_253 = arith.extui %sign3A_252 : i1 to i32
      %sign3A_254 = arith.subi %sign3A_250, %sign3A_253 : i32
      %ne3A_255 = vector.broadcast %sign3A_254 : i32 to vector<16xi32>
      %ne3A_256 = arith.cmpi ne, %sign3A_247, %ne3A_255 : vector<16xi32>
      %rem3A_257 = vector.broadcast %jit3A_236 : i32 to vector<16xi32>
      %rem3A_258 = arith.remsi %add3A_235, %rem3A_257 : vector<16xi32>
      %ne3A_259 = arith.constant 0 : i32
      %ne3A_260 = vector.broadcast %ne3A_259 : i32 to vector<16xi32>
      %ne3A_261 = arith.cmpi ne, %rem3A_258, %ne3A_260 : vector<16xi32>
      %and3A_262 = arith.andi %ne3A_256, %ne3A_261 : vector<16xi1>
      %sub3A_263 = arith.constant 1 : i32
      %sub3A_264 = vector.broadcast %sub3A_263 : i32 to vector<16xi32>
      %sub3A_265 = arith.subi %div3A_238, %sub3A_264 : vector<16xi32>
      %select_n3A_266 = arith.select %and3A_262, %sub3A_265, %div3A_238 : vector<16xi1>, vector<16xi32>
      %jit3A_267 = arith.constant 128 : i32
      %eq3A_268 = arith.constant 0 : i32
      %eq3A_269 = arith.cmpi eq, %jit3A_267, %eq3A_268 : i32
      %jit3A_270 = arith.constant 1 : i32
      %select_n3A_271 = arith.select %eq3A_269, %jit3A_270, %jit3A_267 : i32
      %rem3A_272 = vector.broadcast %select_n3A_271 : i32 to vector<16xi32>
      %rem3A_273 = arith.remsi %add3A_235, %rem3A_272 : vector<16xi32>
      %ne3A_274 = arith.constant 0 : i32
      %ne3A_275 = vector.broadcast %ne3A_274 : i32 to vector<16xi32>
      %ne3A_276 = arith.cmpi ne, %rem3A_273, %ne3A_275 : vector<16xi32>
      %lt3A_277 = arith.constant 0 : i32
      %lt3A_278 = vector.broadcast %lt3A_277 : i32 to vector<16xi32>
      %lt3A_279 = arith.cmpi slt, %rem3A_273, %lt3A_278 : vector<16xi32>
      %lt3A_280 = arith.constant 0 : i32
      %lt3A_281 = arith.cmpi slt, %select_n3A_271, %lt3A_280 : i32
      %ne3A_282 = vector.broadcast %lt3A_281 : i1 to vector<16xi1>
      %ne3A_283 = vector.broadcast %ne3A_282 : vector<16xi1> to vector<16xi1>
      %ne3A_284 = arith.xori %lt3A_279, %ne3A_283 : vector<16xi1>
      %and3A_285 = arith.andi %ne3A_284, %ne3A_276 : vector<16xi1>
      %add3A_286 = vector.broadcast %select_n3A_271 : i32 to vector<16xi32>
      %add3A_287 = arith.addi %rem3A_273, %add3A_286 : vector<16xi32>
      %select_n3A_288 = arith.select %and3A_285, %add3A_287, %rem3A_273 : vector<16xi1>, vector<16xi32>
      tpu.vector_store_idx %arg14[%select_n3A_266, %select_n3A_288], %sub3A_68 {add = true} : memref<336x128xf32, #tpu.memory_space<vmem>>[vector<16xi32>, vector<16xi32>], vector<16xf32>,
      %add3A_289 = arith.constant 7168 : i32
      %add3A_290 = vector.broadcast %add3A_289 : i32 to vector<16xi32>
      %add3A_291 = arith.addi %get3A_45, %add3A_290 : vector<16xi32>
      %jit3A_292 = arith.constant 128 : i32
      %div3A_293 = vector.broadcast %jit3A_292 : i32 to vector<16xi32>
      %div3A_294 = arith.divsi %add3A_291, %div3A_293 : vector<16xi32>
      %sign3A_295 = arith.constant 0 : i32
      %sign3A_296 = vector.broadcast %sign3A_295 : i32 to vector<16xi32>
      %sign3A_297 = arith.cmpi sgt, %add3A_291, %sign3A_296 : vector<16xi32>
      %sign3A_298 = arith.extui %sign3A_297 : vector<16xi1> to vector<16xi32>
      %sign3A_299 = arith.constant 0 : i32
      %sign3A_300 = vector.broadcast %sign3A_299 : i32 to vector<16xi32>
      %sign3A_301 = arith.cmpi slt, %add3A_291, %sign3A_300 : vector<16xi32>
      %sign3A_302 = arith.extui %sign3A_301 : vector<16xi1> to vector<16xi32>
      %sign3A_303 = arith.subi %sign3A_298, %sign3A_302 : vector<16xi32>
      %sign3A_304 = arith.constant 0 : i32
      %sign3A_305 = arith.cmpi sgt, %jit3A_292, %sign3A_304 : i32
      %sign3A_306 = arith.extui %sign3A_305 : i1 to i32
      %sign3A_307 = arith.constant 0 : i32
      %sign3A_308 = arith.cmpi slt, %jit3A_292, %sign3A_307 : i32
      %sign3A_309 = arith.extui %sign3A_308 : i1 to i32
      %sign3A_310 = arith.subi %sign3A_306, %sign3A_309 : i32
      %ne3A_311 = vector.broadcast %sign3A_310 : i32 to vector<16xi32>
      %ne3A_312 = arith.cmpi ne, %sign3A_303, %ne3A_311 : vector<16xi32>
      %rem3A_313 = vector.broadcast %jit3A_292 : i32 to vector<16xi32>
      %rem3A_314 = arith.remsi %add3A_291, %rem3A_313 : vector<16xi32>
      %ne3A_315 = arith.constant 0 : i32
      %ne3A_316 = vector.broadcast %ne3A_315 : i32 to vector<16xi32>
      %ne3A_317 = arith.cmpi ne, %rem3A_314, %ne3A_316 : vector<16xi32>
      %and3A_318 = arith.andi %ne3A_312, %ne3A_317 : vector<16xi1>
      %sub3A_319 = arith.constant 1 : i32
      %sub3A_320 = vector.broadcast %sub3A_319 : i32 to vector<16xi32>
      %sub3A_321 = arith.subi %div3A_294, %sub3A_320 : vector<16xi32>
      %select_n3A_322 = arith.select %and3A_318, %sub3A_321, %div3A_294 : vector<16xi1>, vector<16xi32>
      %jit3A_323 = arith.constant 128 : i32
      %eq3A_324 = arith.constant 0 : i32
      %eq3A_325 = arith.cmpi eq, %jit3A_323, %eq3A_324 : i32
      %jit3A_326 = arith.constant 1 : i32
      %select_n3A_327 = arith.select %eq3A_325, %jit3A_326, %jit3A_323 : i32
      %rem3A_328 = vector.broadcast %select_n3A_327 : i32 to vector<16xi32>
      %rem3A_329 = arith.remsi %add3A_291, %rem3A_328 : vector<16xi32>
      %ne3A_330 = arith.constant 0 : i32
      %ne3A_331 = vector.broadcast %ne3A_330 : i32 to vector<16xi32>
      %ne3A_332 = arith.cmpi ne, %rem3A_329, %ne3A_331 : vector<16xi32>
      %lt3A_333 = arith.constant 0 : i32
      %lt3A_334 = vector.broadcast %lt3A_333 : i32 to vector<16xi32>
      %lt3A_335 = arith.cmpi slt, %rem3A_329, %lt3A_334 : vector<16xi32>
      %lt3A_336 = arith.constant 0 : i32
      %lt3A_337 = arith.cmpi slt, %select_n3A_327, %lt3A_336 : i32
      %ne3A_338 = vector.broadcast %lt3A_337 : i1 to vector<16xi1>
      %ne3A_339 = vector.broadcast %ne3A_338 : vector<16xi1> to vector<16xi1>
      %ne3A_340 = arith.xori %lt3A_335, %ne3A_339 : vector<16xi1>
      %and3A_341 = arith.andi %ne3A_340, %ne3A_332 : vector<16xi1>
      %add3A_342 = vector.broadcast %select_n3A_327 : i32 to vector<16xi32>
      %add3A_343 = arith.addi %rem3A_329, %add3A_342 : vector<16xi32>
      %select_n3A_344 = arith.select %and3A_341, %add3A_343, %rem3A_329 : vector<16xi1>, vector<16xi32>
      tpu.vector_store_idx %arg14[%select_n3A_322, %select_n3A_344], %sub3A_68 {add = true} : memref<336x128xf32, #tpu.memory_space<vmem>>[vector<16xi32>, vector<16xi32>], vector<16xf32>,
      %add3A_345 = arith.constant 7168 : i32
      %add3A_346 = vector.broadcast %add3A_345 : i32 to vector<16xi32>
      %add3A_347 = arith.addi %get3A_49, %add3A_346 : vector<16xi32>
      %jit3A_348 = arith.constant 128 : i32
      %div3A_349 = vector.broadcast %jit3A_348 : i32 to vector<16xi32>
      %div3A_350 = arith.divsi %add3A_347, %div3A_349 : vector<16xi32>
      %sign3A_351 = arith.constant 0 : i32
      %sign3A_352 = vector.broadcast %sign3A_351 : i32 to vector<16xi32>
      %sign3A_353 = arith.cmpi sgt, %add3A_347, %sign3A_352 : vector<16xi32>
      %sign3A_354 = arith.extui %sign3A_353 : vector<16xi1> to vector<16xi32>
      %sign3A_355 = arith.constant 0 : i32
      %sign3A_356 = vector.broadcast %sign3A_355 : i32 to vector<16xi32>
      %sign3A_357 = arith.cmpi slt, %add3A_347, %sign3A_356 : vector<16xi32>
      %sign3A_358 = arith.extui %sign3A_357 : vector<16xi1> to vector<16xi32>
      %sign3A_359 = arith.subi %sign3A_354, %sign3A_358 : vector<16xi32>
      %sign3A_360 = arith.constant 0 : i32
      %sign3A_361 = arith.cmpi sgt, %jit3A_348, %sign3A_360 : i32
      %sign3A_362 = arith.extui %sign3A_361 : i1 to i32
      %sign3A_363 = arith.constant 0 : i32
      %sign3A_364 = arith.cmpi slt, %jit3A_348, %sign3A_363 : i32
      %sign3A_365 = arith.extui %sign3A_364 : i1 to i32
      %sign3A_366 = arith.subi %sign3A_362, %sign3A_365 : i32
      %ne3A_367 = vector.broadcast %sign3A_366 : i32 to vector<16xi32>
      %ne3A_368 = arith.cmpi ne, %sign3A_359, %ne3A_367 : vector<16xi32>
      %rem3A_369 = vector.broadcast %jit3A_348 : i32 to vector<16xi32>
      %rem3A_370 = arith.remsi %add3A_347, %rem3A_369 : vector<16xi32>
      %ne3A_371 = arith.constant 0 : i32
      %ne3A_372 = vector.broadcast %ne3A_371 : i32 to vector<16xi32>
      %ne3A_373 = arith.cmpi ne, %rem3A_370, %ne3A_372 : vector<16xi32>
      %and3A_374 = arith.andi %ne3A_368, %ne3A_373 : vector<16xi1>
      %sub3A_375 = arith.constant 1 : i32
      %sub3A_376 = vector.broadcast %sub3A_375 : i32 to vector<16xi32>
      %sub3A_377 = arith.subi %div3A_350, %sub3A_376 : vector<16xi32>
      %select_n3A_378 = arith.select %and3A_374, %sub3A_377, %div3A_350 : vector<16xi1>, vector<16xi32>
      %jit3A_379 = arith.constant 128 : i32
      %eq3A_380 = arith.constant 0 : i32
      %eq3A_381 = arith.cmpi eq, %jit3A_379, %eq3A_380 : i32
      %jit3A_382 = arith.constant 1 : i32
      %select_n3A_383 = arith.select %eq3A_381, %jit3A_382, %jit3A_379 : i32
      %rem3A_384 = vector.broadcast %select_n3A_383 : i32 to vector<16xi32>
      %rem3A_385 = arith.remsi %add3A_347, %rem3A_384 : vector<16xi32>
      %ne3A_386 = arith.constant 0 : i32
      %ne3A_387 = vector.broadcast %ne3A_386 : i32 to vector<16xi32>
      %ne3A_388 = arith.cmpi ne, %rem3A_385, %ne3A_387 : vector<16xi32>
      %lt3A_389 = arith.constant 0 : i32
      %lt3A_390 = vector.broadcast %lt3A_389 : i32 to vector<16xi32>
      %lt3A_391 = arith.cmpi slt, %rem3A_385, %lt3A_390 : vector<16xi32>
      %lt3A_392 = arith.constant 0 : i32
      %lt3A_393 = arith.cmpi slt, %select_n3A_383, %lt3A_392 : i32
      %ne3A_394 = vector.broadcast %lt3A_393 : i1 to vector<16xi1>
      %ne3A_395 = vector.broadcast %ne3A_394 : vector<16xi1> to vector<16xi1>
      %ne3A_396 = arith.xori %lt3A_391, %ne3A_395 : vector<16xi1>
      %and3A_397 = arith.andi %ne3A_396, %ne3A_388 : vector<16xi1>
      %add3A_398 = vector.broadcast %select_n3A_383 : i32 to vector<16xi32>
      %add3A_399 = arith.addi %rem3A_385, %add3A_398 : vector<16xi32>
      %select_n3A_400 = arith.select %and3A_397, %add3A_399, %rem3A_385 : vector<16xi1>, vector<16xi32>
      tpu.vector_store_idx %arg14[%select_n3A_378, %select_n3A_400], %sub3A_68 {add = true} : memref<336x128xf32, #tpu.memory_space<vmem>>[vector<16xi32>, vector<16xi32>], vector<16xf32>,
      %add3A_401 = arith.constant 14336 : i32
      %add3A_402 = vector.broadcast %add3A_401 : i32 to vector<16xi32>
      %add3A_403 = arith.addi %get3A_41, %add3A_402 : vector<16xi32>
      %jit3A_404 = arith.constant 128 : i32
      %div3A_405 = vector.broadcast %jit3A_404 : i32 to vector<16xi32>
      %div3A_406 = arith.divsi %add3A_403, %div3A_405 : vector<16xi32>
      %sign3A_407 = arith.constant 0 : i32
      %sign3A_408 = vector.broadcast %sign3A_407 : i32 to vector<16xi32>
      %sign3A_409 = arith.cmpi sgt, %add3A_403, %sign3A_408 : vector<16xi32>
      %sign3A_410 = arith.extui %sign3A_409 : vector<16xi1> to vector<16xi32>
      %sign3A_411 = arith.constant 0 : i32
      %sign3A_412 = vector.broadcast %sign3A_411 : i32 to vector<16xi32>
      %sign3A_413 = arith.cmpi slt, %add3A_403, %sign3A_412 : vector<16xi32>
      %sign3A_414 = arith.extui %sign3A_413 : vector<16xi1> to vector<16xi32>
      %sign3A_415 = arith.subi %sign3A_410, %sign3A_414 : vector<16xi32>
      %sign3A_416 = arith.constant 0 : i32
      %sign3A_417 = arith.cmpi sgt, %jit3A_404, %sign3A_416 : i32
      %sign3A_418 = arith.extui %sign3A_417 : i1 to i32
      %sign3A_419 = arith.constant 0 : i32
      %sign3A_420 = arith.cmpi slt, %jit3A_404, %sign3A_419 : i32
      %sign3A_421 = arith.extui %sign3A_420 : i1 to i32
      %sign3A_422 = arith.subi %sign3A_418, %sign3A_421 : i32
      %ne3A_423 = vector.broadcast %sign3A_422 : i32 to vector<16xi32>
      %ne3A_424 = arith.cmpi ne, %sign3A_415, %ne3A_423 : vector<16xi32>
      %rem3A_425 = vector.broadcast %jit3A_404 : i32 to vector<16xi32>
      %rem3A_426 = arith.remsi %add3A_403, %rem3A_425 : vector<16xi32>
      %ne3A_427 = arith.constant 0 : i32
      %ne3A_428 = vector.broadcast %ne3A_427 : i32 to vector<16xi32>
      %ne3A_429 = arith.cmpi ne, %rem3A_426, %ne3A_428 : vector<16xi32>
      %and3A_430 = arith.andi %ne3A_424, %ne3A_429 : vector<16xi1>
      %sub3A_431 = arith.constant 1 : i32
      %sub3A_432 = vector.broadcast %sub3A_431 : i32 to vector<16xi32>
      %sub3A_433 = arith.subi %div3A_406, %sub3A_432 : vector<16xi32>
      %select_n3A_434 = arith.select %and3A_430, %sub3A_433, %div3A_406 : vector<16xi1>, vector<16xi32>
      %jit3A_435 = arith.constant 128 : i32
      %eq3A_436 = arith.constant 0 : i32
      %eq3A_437 = arith.cmpi eq, %jit3A_435, %eq3A_436 : i32
      %jit3A_438 = arith.constant 1 : i32
      %select_n3A_439 = arith.select %eq3A_437, %jit3A_438, %jit3A_435 : i32
      %rem3A_440 = vector.broadcast %select_n3A_439 : i32 to vector<16xi32>
      %rem3A_441 = arith.remsi %add3A_403, %rem3A_440 : vector<16xi32>
      %ne3A_442 = arith.constant 0 : i32
      %ne3A_443 = vector.broadcast %ne3A_442 : i32 to vector<16xi32>
      %ne3A_444 = arith.cmpi ne, %rem3A_441, %ne3A_443 : vector<16xi32>
      %lt3A_445 = arith.constant 0 : i32
      %lt3A_446 = vector.broadcast %lt3A_445 : i32 to vector<16xi32>
      %lt3A_447 = arith.cmpi slt, %rem3A_441, %lt3A_446 : vector<16xi32>
      %lt3A_448 = arith.constant 0 : i32
      %lt3A_449 = arith.cmpi slt, %select_n3A_439, %lt3A_448 : i32
      %ne3A_450 = vector.broadcast %lt3A_449 : i1 to vector<16xi1>
      %ne3A_451 = vector.broadcast %ne3A_450 : vector<16xi1> to vector<16xi1>
      %ne3A_452 = arith.xori %lt3A_447, %ne3A_451 : vector<16xi1>
      %and3A_453 = arith.andi %ne3A_452, %ne3A_444 : vector<16xi1>
      %add3A_454 = vector.broadcast %select_n3A_439 : i32 to vector<16xi32>
      %add3A_455 = arith.addi %rem3A_441, %add3A_454 : vector<16xi32>
      %select_n3A_456 = arith.select %and3A_453, %add3A_455, %rem3A_441 : vector<16xi1>, vector<16xi32>
      tpu.vector_store_idx %arg14[%select_n3A_434, %select_n3A_456], %sub3A_71 {add = true} : memref<336x128xf32, #tpu.memory_space<vmem>>[vector<16xi32>, vector<16xi32>], vector<16xf32>,
      %add3A_457 = arith.constant 14336 : i32
      %add3A_458 = vector.broadcast %add3A_457 : i32 to vector<16xi32>
      %add3A_459 = arith.addi %get3A_45, %add3A_458 : vector<16xi32>
      %jit3A_460 = arith.constant 128 : i32
      %div3A_461 = vector.broadcast %jit3A_460 : i32 to vector<16xi32>
      %div3A_462 = arith.divsi %add3A_459, %div3A_461 : vector<16xi32>
      %sign3A_463 = arith.constant 0 : i32
      %sign3A_464 = vector.broadcast %sign3A_463 : i32 to vector<16xi32>
      %sign3A_465 = arith.cmpi sgt, %add3A_459, %sign3A_464 : vector<16xi32>
      %sign3A_466 = arith.extui %sign3A_465 : vector<16xi1> to vector<16xi32>
      %sign3A_467 = arith.constant 0 : i32
      %sign3A_468 = vector.broadcast %sign3A_467 : i32 to vector<16xi32>
      %sign3A_469 = arith.cmpi slt, %add3A_459, %sign3A_468 : vector<16xi32>
      %sign3A_470 = arith.extui %sign3A_469 : vector<16xi1> to vector<16xi32>
      %sign3A_471 = arith.subi %sign3A_466, %sign3A_470 : vector<16xi32>
      %sign3A_472 = arith.constant 0 : i32
      %sign3A_473 = arith.cmpi sgt, %jit3A_460, %sign3A_472 : i32
      %sign3A_474 = arith.extui %sign3A_473 : i1 to i32
      %sign3A_475 = arith.constant 0 : i32
      %sign3A_476 = arith.cmpi slt, %jit3A_460, %sign3A_475 : i32
      %sign3A_477 = arith.extui %sign3A_476 : i1 to i32
      %sign3A_478 = arith.subi %sign3A_474, %sign3A_477 : i32
      %ne3A_479 = vector.broadcast %sign3A_478 : i32 to vector<16xi32>
      %ne3A_480 = arith.cmpi ne, %sign3A_471, %ne3A_479 : vector<16xi32>
      %rem3A_481 = vector.broadcast %jit3A_460 : i32 to vector<16xi32>
      %rem3A_482 = arith.remsi %add3A_459, %rem3A_481 : vector<16xi32>
      %ne3A_483 = arith.constant 0 : i32
      %ne3A_484 = vector.broadcast %ne3A_483 : i32 to vector<16xi32>
      %ne3A_485 = arith.cmpi ne, %rem3A_482, %ne3A_484 : vector<16xi32>
      %and3A_486 = arith.andi %ne3A_480, %ne3A_485 : vector<16xi1>
      %sub3A_487 = arith.constant 1 : i32
      %sub3A_488 = vector.broadcast %sub3A_487 : i32 to vector<16xi32>
      %sub3A_489 = arith.subi %div3A_462, %sub3A_488 : vector<16xi32>
      %select_n3A_490 = arith.select %and3A_486, %sub3A_489, %div3A_462 : vector<16xi1>, vector<16xi32>
      %jit3A_491 = arith.constant 128 : i32
      %eq3A_492 = arith.constant 0 : i32
      %eq3A_493 = arith.cmpi eq, %jit3A_491, %eq3A_492 : i32
      %jit3A_494 = arith.constant 1 : i32
      %select_n3A_495 = arith.select %eq3A_493, %jit3A_494, %jit3A_491 : i32
      %rem3A_496 = vector.broadcast %select_n3A_495 : i32 to vector<16xi32>
      %rem3A_497 = arith.remsi %add3A_459, %rem3A_496 : vector<16xi32>
      %ne3A_498 = arith.constant 0 : i32
      %ne3A_499 = vector.broadcast %ne3A_498 : i32 to vector<16xi32>
      %ne3A_500 = arith.cmpi ne, %rem3A_497, %ne3A_499 : vector<16xi32>
      %lt3A_501 = arith.constant 0 : i32
      %lt3A_502 = vector.broadcast %lt3A_501 : i32 to vector<16xi32>
      %lt3A_503 = arith.cmpi slt, %rem3A_497, %lt3A_502 : vector<16xi32>
      %lt3A_504 = arith.constant 0 : i32
      %lt3A_505 = arith.cmpi slt, %select_n3A_495, %lt3A_504 : i32
      %ne3A_506 = vector.broadcast %lt3A_505 : i1 to vector<16xi1>
      %ne3A_507 = vector.broadcast %ne3A_506 : vector<16xi1> to vector<16xi1>
      %ne3A_508 = arith.xori %lt3A_503, %ne3A_507 : vector<16xi1>
      %and3A_509 = arith.andi %ne3A_508, %ne3A_500 : vector<16xi1>
      %add3A_510 = vector.broadcast %select_n3A_495 : i32 to vector<16xi32>
      %add3A_511 = arith.addi %rem3A_497, %add3A_510 : vector<16xi32>
      %select_n3A_512 = arith.select %and3A_509, %add3A_511, %rem3A_497 : vector<16xi1>, vector<16xi32>
      tpu.vector_store_idx %arg14[%select_n3A_490, %select_n3A_512], %sub3A_71 {add = true} : memref<336x128xf32, #tpu.memory_space<vmem>>[vector<16xi32>, vector<16xi32>], vector<16xf32>,
      %add3A_513 = arith.constant 14336 : i32
      %add3A_514 = vector.broadcast %add3A_513 : i32 to vector<16xi32>
      %add3A_515 = arith.addi %get3A_49, %add3A_514 : vector<16xi32>
      %jit3A_516 = arith.constant 128 : i32
      %div3A_517 = vector.broadcast %jit3A_516 : i32 to vector<16xi32>
      %div3A_518 = arith.divsi %add3A_515, %div3A_517 : vector<16xi32>
      %sign3A_519 = arith.constant 0 : i32
      %sign3A_520 = vector.broadcast %sign3A_519 : i32 to vector<16xi32>
      %sign3A_521 = arith.cmpi sgt, %add3A_515, %sign3A_520 : vector<16xi32>
      %sign3A_522 = arith.extui %sign3A_521 : vector<16xi1> to vector<16xi32>
      %sign3A_523 = arith.constant 0 : i32
      %sign3A_524 = vector.broadcast %sign3A_523 : i32 to vector<16xi32>
      %sign3A_525 = arith.cmpi slt, %add3A_515, %sign3A_524 : vector<16xi32>
      %sign3A_526 = arith.extui %sign3A_525 : vector<16xi1> to vector<16xi32>
      %sign3A_527 = arith.subi %sign3A_522, %sign3A_526 : vector<16xi32>
      %sign3A_528 = arith.constant 0 : i32
      %sign3A_529 = arith.cmpi sgt, %jit3A_516, %sign3A_528 : i32
      %sign3A_530 = arith.extui %sign3A_529 : i1 to i32
      %sign3A_531 = arith.constant 0 : i32
      %sign3A_532 = arith.cmpi slt, %jit3A_516, %sign3A_531 : i32
      %sign3A_533 = arith.extui %sign3A_532 : i1 to i32
      %sign3A_534 = arith.subi %sign3A_530, %sign3A_533 : i32
      %ne3A_535 = vector.broadcast %sign3A_534 : i32 to vector<16xi32>
      %ne3A_536 = arith.cmpi ne, %sign3A_527, %ne3A_535 : vector<16xi32>
      %rem3A_537 = vector.broadcast %jit3A_516 : i32 to vector<16xi32>
      %rem3A_538 = arith.remsi %add3A_515, %rem3A_537 : vector<16xi32>
      %ne3A_539 = arith.constant 0 : i32
      %ne3A_540 = vector.broadcast %ne3A_539 : i32 to vector<16xi32>
      %ne3A_541 = arith.cmpi ne, %rem3A_538, %ne3A_540 : vector<16xi32>
      %and3A_542 = arith.andi %ne3A_536, %ne3A_541 : vector<16xi1>
      %sub3A_543 = arith.constant 1 : i32
      %sub3A_544 = vector.broadcast %sub3A_543 : i32 to vector<16xi32>
      %sub3A_545 = arith.subi %div3A_518, %sub3A_544 : vector<16xi32>
      %select_n3A_546 = arith.select %and3A_542, %sub3A_545, %div3A_518 : vector<16xi1>, vector<16xi32>
      %jit3A_547 = arith.constant 128 : i32
      %eq3A_548 = arith.constant 0 : i32
      %eq3A_549 = arith.cmpi eq, %jit3A_547, %eq3A_548 : i32
      %jit3A_550 = arith.constant 1 : i32
      %select_n3A_551 = arith.select %eq3A_549, %jit3A_550, %jit3A_547 : i32
      %rem3A_552 = vector.broadcast %select_n3A_551 : i32 to vector<16xi32>
      %rem3A_553 = arith.remsi %add3A_515, %rem3A_552 : vector<16xi32>
      %ne3A_554 = arith.constant 0 : i32
      %ne3A_555 = vector.broadcast %ne3A_554 : i32 to vector<16xi32>
      %ne3A_556 = arith.cmpi ne, %rem3A_553, %ne3A_555 : vector<16xi32>
      %lt3A_557 = arith.constant 0 : i32
      %lt3A_558 = vector.broadcast %lt3A_557 : i32 to vector<16xi32>
      %lt3A_559 = arith.cmpi slt, %rem3A_553, %lt3A_558 : vector<16xi32>
      %lt3A_560 = arith.constant 0 : i32
      %lt3A_561 = arith.cmpi slt, %select_n3A_551, %lt3A_560 : i32
      %ne3A_562 = vector.broadcast %lt3A_561 : i1 to vector<16xi1>
      %ne3A_563 = vector.broadcast %ne3A_562 : vector<16xi1> to vector<16xi1>
      %ne3A_564 = arith.xori %lt3A_559, %ne3A_563 : vector<16xi1>
      %and3A_565 = arith.andi %ne3A_564, %ne3A_556 : vector<16xi1>
      %add3A_566 = vector.broadcast %select_n3A_551 : i32 to vector<16xi32>
      %add3A_567 = arith.addi %rem3A_553, %add3A_566 : vector<16xi32>
      %select_n3A_568 = arith.select %and3A_565, %add3A_567, %rem3A_553 : vector<16xi1>, vector<16xi32>
      tpu.vector_store_idx %arg14[%select_n3A_546, %select_n3A_568], %sub3A_71 {add = true} : memref<336x128xf32, #tpu.memory_space<vmem>>[vector<16xi32>, vector<16xi32>], vector<16xf32>,
    }
    %scan3A_13 = arith.constant 27 : i32
    "tpu.region"() ({
      %run_scoped3A = tpu.sem_alloc : memref<!tpu.dma_semaphore, #tpu.memory_space<semaphore_mem>>
      %dma_start3A = arith.constant 7168 : i32
      %dma_start3A_38 = tpu.memref_slice %arg2[%dma_start3A] : memref<14336xf32, #tpu.memory_space<hbm>> -> memref<7168xf32, #tpu.memory_space<hbm>>
      %dma_start3A_39 = arith.constant 7168 : i32
      %dma_start3A_40 = tpu.memref_slice %arg2[%dma_start3A_39] : memref<14336xf32, #tpu.memory_space<hbm>> -> memref<7168xf32, #tpu.memory_space<hbm>>
      tpu.enqueue_dma source(%dma_start3A_40 : memref<7168xf32, #tpu.memory_space<hbm>>) target(%arg11 : memref<7168xf32, #tpu.memory_space<vmem>>) target_semaphore(%run_scoped3A : memref<!tpu.dma_semaphore, #tpu.memory_space<semaphore_mem>>)
      %dma_wait3A = arith.constant 7168 : i32
      %dma_wait3A_41 = tpu.memref_slice %arg2[%dma_wait3A] : memref<14336xf32, #tpu.memory_space<hbm>> -> memref<7168xf32, #tpu.memory_space<hbm>>
      %dma_wait3A_42 = arith.constant 7168 : i32
      %dma_wait3A_43 = tpu.memref_slice %arg2[%dma_wait3A_42] : memref<14336xf32, #tpu.memory_space<hbm>> -> memref<7168xf32, #tpu.memory_space<hbm>>
      tpu.wait_dma2 semaphore(%run_scoped3A : memref<!tpu.dma_semaphore, #tpu.memory_space<semaphore_mem>>) src(%dma_wait3A_43 : memref<7168xf32, #tpu.memory_space<hbm>>) dst(%arg11 : memref<7168xf32, #tpu.memory_space<vmem>>)
      tpu.yield
    }) : () -> ()
    "tpu.region"() ({
      %run_scoped3A = tpu.sem_alloc : memref<!tpu.dma_semaphore, #tpu.memory_space<semaphore_mem>>
      %dma_start3A = arith.constant 7168 : i32
      %dma_start3A_38 = tpu.memref_slice %arg3[%dma_start3A] : memref<14336xf32, #tpu.memory_space<hbm>> -> memref<7168xf32, #tpu.memory_space<hbm>>
      %dma_start3A_39 = arith.constant 7168 : i32
      %dma_start3A_40 = tpu.memref_slice %arg3[%dma_start3A_39] : memref<14336xf32, #tpu.memory_space<hbm>> -> memref<7168xf32, #tpu.memory_space<hbm>>
      tpu.enqueue_dma source(%dma_start3A_40 : memref<7168xf32, #tpu.memory_space<hbm>>) target(%arg12 : memref<7168xf32, #tpu.memory_space<vmem>>) target_semaphore(%run_scoped3A : memref<!tpu.dma_semaphore, #tpu.memory_space<semaphore_mem>>)
      %dma_wait3A = arith.constant 7168 : i32
      %dma_wait3A_41 = tpu.memref_slice %arg3[%dma_wait3A] : memref<14336xf32, #tpu.memory_space<hbm>> -> memref<7168xf32, #tpu.memory_space<hbm>>
      %dma_wait3A_42 = arith.constant 7168 : i32
      %dma_wait3A_43 = tpu.memref_slice %arg3[%dma_wait3A_42] : memref<14336xf32, #tpu.memory_space<hbm>> -> memref<7168xf32, #tpu.memory_space<hbm>>
      tpu.wait_dma2 semaphore(%run_scoped3A : memref<!tpu.dma_semaphore, #tpu.memory_space<semaphore_mem>>) src(%dma_wait3A_43 : memref<7168xf32, #tpu.memory_space<hbm>>) dst(%arg12 : memref<7168xf32, #tpu.memory_space<vmem>>)
      tpu.yield
    }) : () -> ()
    "tpu.region"() ({
      %run_scoped3A = tpu.sem_alloc : memref<!tpu.dma_semaphore, #tpu.memory_space<semaphore_mem>>
      %dma_start3A = arith.constant 7168 : i32
      %dma_start3A_38 = tpu.memref_slice %arg4[%dma_start3A] : memref<14336xf32, #tpu.memory_space<hbm>> -> memref<7168xf32, #tpu.memory_space<hbm>>
      %dma_start3A_39 = arith.constant 7168 : i32
      %dma_start3A_40 = tpu.memref_slice %arg4[%dma_start3A_39] : memref<14336xf32, #tpu.memory_space<hbm>> -> memref<7168xf32, #tpu.memory_space<hbm>>
      tpu.enqueue_dma source(%dma_start3A_40 : memref<7168xf32, #tpu.memory_space<hbm>>) target(%arg13 : memref<7168xf32, #tpu.memory_space<vmem>>) target_semaphore(%run_scoped3A : memref<!tpu.dma_semaphore, #tpu.memory_space<semaphore_mem>>)
      %dma_wait3A = arith.constant 7168 : i32
      %dma_wait3A_41 = tpu.memref_slice %arg4[%dma_wait3A] : memref<14336xf32, #tpu.memory_space<hbm>> -> memref<7168xf32, #tpu.memory_space<hbm>>
      %dma_wait3A_42 = arith.constant 7168 : i32
      %dma_wait3A_43 = tpu.memref_slice %arg4[%dma_wait3A_42] : memref<14336xf32, #tpu.memory_space<hbm>> -> memref<7168xf32, #tpu.memory_space<hbm>>
      tpu.wait_dma2 semaphore(%run_scoped3A : memref<!tpu.dma_semaphore, #tpu.memory_space<semaphore_mem>>) src(%dma_wait3A_43 : memref<7168xf32, #tpu.memory_space<hbm>>) dst(%arg13 : memref<7168xf32, #tpu.memory_space<vmem>>)
      tpu.yield
    }) : () -> ()
    %add3A_14 = arith.constant 13824 : i32
    %add3A_15 = arith.addi %add3A_14, %mul3A_2 : i32
    "tpu.region"() ({
      %run_scoped3A = tpu.sem_alloc : memref<!tpu.dma_semaphore, #tpu.memory_space<semaphore_mem>>
      %dma_start3A = tpu.memref_slice %arg5[%add3A_15] : memref<27648xi32, #tpu.memory_space<hbm>> -> memref<432xi32, #tpu.memory_space<hbm>>
      %dma_start3A_38 = tpu.memref_slice %arg5[%add3A_15] : memref<27648xi32, #tpu.memory_space<hbm>> -> memref<432xi32, #tpu.memory_space<hbm>>
      tpu.enqueue_dma source(%dma_start3A_38 : memref<432xi32, #tpu.memory_space<hbm>>) target(%arg15 : memref<432xi32, #tpu.memory_space<vmem>>) target_semaphore(%run_scoped3A : memref<!tpu.dma_semaphore, #tpu.memory_space<semaphore_mem>>)
      %dma_wait3A = tpu.memref_slice %arg5[%add3A_15] : memref<27648xi32, #tpu.memory_space<hbm>> -> memref<432xi32, #tpu.memory_space<hbm>>
      %dma_wait3A_39 = tpu.memref_slice %arg5[%add3A_15] : memref<27648xi32, #tpu.memory_space<hbm>> -> memref<432xi32, #tpu.memory_space<hbm>>
      tpu.wait_dma2 semaphore(%run_scoped3A : memref<!tpu.dma_semaphore, #tpu.memory_space<semaphore_mem>>) src(%dma_wait3A_39 : memref<432xi32, #tpu.memory_space<hbm>>) dst(%arg15 : memref<432xi32, #tpu.memory_space<vmem>>)
      tpu.yield
    }) : () -> ()
    %add3A_16 = arith.constant 13824 : i32
    %add3A_17 = arith.addi %add3A_16, %mul3A_2 : i32
    "tpu.region"() ({
      %run_scoped3A = tpu.sem_alloc : memref<!tpu.dma_semaphore, #tpu.memory_space<semaphore_mem>>
      %dma_start3A = tpu.memref_slice %arg6[%add3A_17] : memref<27648xi32, #tpu.memory_space<hbm>> -> memref<432xi32, #tpu.memory_space<hbm>>
      %dma_start3A_38 = tpu.memref_slice %arg6[%add3A_17] : memref<27648xi32, #tpu.memory_space<hbm>> -> memref<432xi32, #tpu.memory_space<hbm>>
      tpu.enqueue_dma source(%dma_start3A_38 : memref<432xi32, #tpu.memory_space<hbm>>) target(%arg16 : memref<432xi32, #tpu.memory_space<vmem>>) target_semaphore(%run_scoped3A : memref<!tpu.dma_semaphore, #tpu.memory_space<semaphore_mem>>)
      %dma_wait3A = tpu.memref_slice %arg6[%add3A_17] : memref<27648xi32, #tpu.memory_space<hbm>> -> memref<432xi32, #tpu.memory_space<hbm>>
      %dma_wait3A_39 = tpu.memref_slice %arg6[%add3A_17] : memref<27648xi32, #tpu.memory_space<hbm>> -> memref<432xi32, #tpu.memory_space<hbm>>
      tpu.wait_dma2 semaphore(%run_scoped3A : memref<!tpu.dma_semaphore, #tpu.memory_space<semaphore_mem>>) src(%dma_wait3A_39 : memref<432xi32, #tpu.memory_space<hbm>>) dst(%arg16 : memref<432xi32, #tpu.memory_space<vmem>>)
      tpu.yield
    }) : () -> ()
    %add3A_18 = arith.constant 13824 : i32
    %add3A_19 = arith.addi %add3A_18, %mul3A_2 : i32
    "tpu.region"() ({
      %run_scoped3A = tpu.sem_alloc : memref<!tpu.dma_semaphore, #tpu.memory_space<semaphore_mem>>
      %dma_start3A = tpu.memref_slice %arg7[%add3A_19] : memref<27648xi32, #tpu.memory_space<hbm>> -> memref<432xi32, #tpu.memory_space<hbm>>
      %dma_start3A_38 = tpu.memref_slice %arg7[%add3A_19] : memref<27648xi32, #tpu.memory_space<hbm>> -> memref<432xi32, #tpu.memory_space<hbm>>
      tpu.enqueue_dma source(%dma_start3A_38 : memref<432xi32, #tpu.memory_space<hbm>>) target(%arg17 : memref<432xi32, #tpu.memory_space<vmem>>) target_semaphore(%run_scoped3A : memref<!tpu.dma_semaphore, #tpu.memory_space<semaphore_mem>>)
      %dma_wait3A = tpu.memref_slice %arg7[%add3A_19] : memref<27648xi32, #tpu.memory_space<hbm>> -> memref<432xi32, #tpu.memory_space<hbm>>
      %dma_wait3A_39 = tpu.memref_slice %arg7[%add3A_19] : memref<27648xi32, #tpu.memory_space<hbm>> -> memref<432xi32, #tpu.memory_space<hbm>>
      tpu.wait_dma2 semaphore(%run_scoped3A : memref<!tpu.dma_semaphore, #tpu.memory_space<semaphore_mem>>) src(%dma_wait3A_39 : memref<432xi32, #tpu.memory_space<hbm>>) dst(%arg17 : memref<432xi32, #tpu.memory_space<vmem>>)
      tpu.yield
    }) : () -> ()
    %scan3A_20 = arith.constant 0 : i32
    %scan3A_21 = arith.constant 0 : i32
    %scan3A_22 = arith.constant 27 : i32
    %scan3A_23 = arith.addi %scan3A_21, %scan3A_22 : i32
    %scan3A_24 = arith.constant 1 : i32
    scf.for %scan3A_38 = %scan3A_21 to %scan3A_23 step %scan3A_24  : i32 {
      %mul3A_39 = arith.constant 16 : i32
      %mul3A_40 = arith.muli %scan3A_38, %mul3A_39 : i32
      %get3A = arith.index_cast %mul3A_40 : i32 to index
      %get3A_41 = tpu.vector_load %arg15[%get3A] {strides = array<i32>} : memref<432xi32, #tpu.memory_space<vmem>>, vector<16xi32>,
      %mul3A_42 = arith.constant 16 : i32
      %mul3A_43 = arith.muli %scan3A_38, %mul3A_42 : i32
      %get3A_44 = arith.index_cast %mul3A_43 : i32 to index
      %get3A_45 = tpu.vector_load %arg16[%get3A_44] {strides = array<i32>} : memref<432xi32, #tpu.memory_space<vmem>>, vector<16xi32>,
      %mul3A_46 = arith.constant 16 : i32
      %mul3A_47 = arith.muli %scan3A_38, %mul3A_46 : i32
      %get3A_48 = arith.index_cast %mul3A_47 : i32 to index
      %get3A_49 = tpu.vector_load %arg17[%get3A_48] {strides = array<i32>} : memref<432xi32, #tpu.memory_space<vmem>>, vector<16xi32>,
      %gather3A = tpu.vector_load_idx %arg11[%get3A_41] : memref<7168xf32, #tpu.memory_space<vmem>>[vector<16xi32>], vector<16xf32>,
      %gather3A_50 = tpu.vector_load_idx %arg12[%get3A_41] : memref<7168xf32, #tpu.memory_space<vmem>>[vector<16xi32>], vector<16xf32>,
      %gather3A_51 = tpu.vector_load_idx %arg13[%get3A_41] : memref<7168xf32, #tpu.memory_space<vmem>>[vector<16xi32>], vector<16xf32>,
      %gather3A_52 = tpu.vector_load_idx %arg11[%get3A_45] : memref<7168xf32, #tpu.memory_space<vmem>>[vector<16xi32>], vector<16xf32>,
      %gather3A_53 = tpu.vector_load_idx %arg12[%get3A_45] : memref<7168xf32, #tpu.memory_space<vmem>>[vector<16xi32>], vector<16xf32>,
      %gather3A_54 = tpu.vector_load_idx %arg13[%get3A_45] : memref<7168xf32, #tpu.memory_space<vmem>>[vector<16xi32>], vector<16xf32>,
      %gather3A_55 = tpu.vector_load_idx %arg11[%get3A_49] : memref<7168xf32, #tpu.memory_space<vmem>>[vector<16xi32>], vector<16xf32>,
      %gather3A_56 = tpu.vector_load_idx %arg12[%get3A_49] : memref<7168xf32, #tpu.memory_space<vmem>>[vector<16xi32>], vector<16xf32>,
      %gather3A_57 = tpu.vector_load_idx %arg13[%get3A_49] : memref<7168xf32, #tpu.memory_space<vmem>>[vector<16xi32>], vector<16xf32>,
      %sub3A = arith.subf %gather3A_52, %gather3A : vector<16xf32>
      %sub3A_58 = arith.subf %gather3A_53, %gather3A_50 : vector<16xf32>
      %sub3A_59 = arith.subf %gather3A_54, %gather3A_51 : vector<16xf32>
      %sub3A_60 = arith.subf %gather3A_55, %gather3A : vector<16xf32>
      %sub3A_61 = arith.subf %gather3A_56, %gather3A_50 : vector<16xf32>
      %sub3A_62 = arith.subf %gather3A_57, %gather3A_51 : vector<16xf32>
      %mul3A_63 = arith.mulf %sub3A_58, %sub3A_62 : vector<16xf32>
      %mul3A_64 = arith.mulf %sub3A_59, %sub3A_61 : vector<16xf32>
      %sub3A_65 = arith.subf %mul3A_63, %mul3A_64 : vector<16xf32>
      %mul3A_66 = arith.mulf %sub3A_59, %sub3A_60 : vector<16xf32>
      %mul3A_67 = arith.mulf %sub3A, %sub3A_62 : vector<16xf32>
      %sub3A_68 = arith.subf %mul3A_66, %mul3A_67 : vector<16xf32>
      %mul3A_69 = arith.mulf %sub3A, %sub3A_61 : vector<16xf32>
      %mul3A_70 = arith.mulf %sub3A_58, %sub3A_60 : vector<16xf32>
      %sub3A_71 = arith.subf %mul3A_69, %mul3A_70 : vector<16xf32>
      %add3A_72 = arith.constant 21504 : i32
      %add3A_73 = vector.broadcast %add3A_72 : i32 to vector<16xi32>
      %add3A_74 = arith.addi %get3A_41, %add3A_73 : vector<16xi32>
      %jit3A = arith.constant 128 : i32
      %div3A = vector.broadcast %jit3A : i32 to vector<16xi32>
      %div3A_75 = arith.divsi %add3A_74, %div3A : vector<16xi32>
      %sign3A = arith.constant 0 : i32
      %sign3A_76 = vector.broadcast %sign3A : i32 to vector<16xi32>
      %sign3A_77 = arith.cmpi sgt, %add3A_74, %sign3A_76 : vector<16xi32>
      %sign3A_78 = arith.extui %sign3A_77 : vector<16xi1> to vector<16xi32>
      %sign3A_79 = arith.constant 0 : i32
      %sign3A_80 = vector.broadcast %sign3A_79 : i32 to vector<16xi32>
      %sign3A_81 = arith.cmpi slt, %add3A_74, %sign3A_80 : vector<16xi32>
      %sign3A_82 = arith.extui %sign3A_81 : vector<16xi1> to vector<16xi32>
      %sign3A_83 = arith.subi %sign3A_78, %sign3A_82 : vector<16xi32>
      %sign3A_84 = arith.constant 0 : i32
      %sign3A_85 = arith.cmpi sgt, %jit3A, %sign3A_84 : i32
      %sign3A_86 = arith.extui %sign3A_85 : i1 to i32
      %sign3A_87 = arith.constant 0 : i32
      %sign3A_88 = arith.cmpi slt, %jit3A, %sign3A_87 : i32
      %sign3A_89 = arith.extui %sign3A_88 : i1 to i32
      %sign3A_90 = arith.subi %sign3A_86, %sign3A_89 : i32
      %ne3A_91 = vector.broadcast %sign3A_90 : i32 to vector<16xi32>
      %ne3A_92 = arith.cmpi ne, %sign3A_83, %ne3A_91 : vector<16xi32>
      %rem3A = vector.broadcast %jit3A : i32 to vector<16xi32>
      %rem3A_93 = arith.remsi %add3A_74, %rem3A : vector<16xi32>
      %ne3A_94 = arith.constant 0 : i32
      %ne3A_95 = vector.broadcast %ne3A_94 : i32 to vector<16xi32>
      %ne3A_96 = arith.cmpi ne, %rem3A_93, %ne3A_95 : vector<16xi32>
      %and3A = arith.andi %ne3A_92, %ne3A_96 : vector<16xi1>
      %sub3A_97 = arith.constant 1 : i32
      %sub3A_98 = vector.broadcast %sub3A_97 : i32 to vector<16xi32>
      %sub3A_99 = arith.subi %div3A_75, %sub3A_98 : vector<16xi32>
      %select_n3A = arith.select %and3A, %sub3A_99, %div3A_75 : vector<16xi1>, vector<16xi32>
      %jit3A_100 = arith.constant 128 : i32
      %eq3A_101 = arith.constant 0 : i32
      %eq3A_102 = arith.cmpi eq, %jit3A_100, %eq3A_101 : i32
      %jit3A_103 = arith.constant 1 : i32
      %select_n3A_104 = arith.select %eq3A_102, %jit3A_103, %jit3A_100 : i32
      %rem3A_105 = vector.broadcast %select_n3A_104 : i32 to vector<16xi32>
      %rem3A_106 = arith.remsi %add3A_74, %rem3A_105 : vector<16xi32>
      %ne3A_107 = arith.constant 0 : i32
      %ne3A_108 = vector.broadcast %ne3A_107 : i32 to vector<16xi32>
      %ne3A_109 = arith.cmpi ne, %rem3A_106, %ne3A_108 : vector<16xi32>
      %lt3A = arith.constant 0 : i32
      %lt3A_110 = vector.broadcast %lt3A : i32 to vector<16xi32>
      %lt3A_111 = arith.cmpi slt, %rem3A_106, %lt3A_110 : vector<16xi32>
      %lt3A_112 = arith.constant 0 : i32
      %lt3A_113 = arith.cmpi slt, %select_n3A_104, %lt3A_112 : i32
      %ne3A_114 = vector.broadcast %lt3A_113 : i1 to vector<16xi1>
      %ne3A_115 = vector.broadcast %ne3A_114 : vector<16xi1> to vector<16xi1>
      %ne3A_116 = arith.xori %lt3A_111, %ne3A_115 : vector<16xi1>
      %and3A_117 = arith.andi %ne3A_116, %ne3A_109 : vector<16xi1>
      %add3A_118 = vector.broadcast %select_n3A_104 : i32 to vector<16xi32>
      %add3A_119 = arith.addi %rem3A_106, %add3A_118 : vector<16xi32>
      %select_n3A_120 = arith.select %and3A_117, %add3A_119, %rem3A_106 : vector<16xi1>, vector<16xi32>
      tpu.vector_store_idx %arg14[%select_n3A, %select_n3A_120], %sub3A_65 {add = true} : memref<336x128xf32, #tpu.memory_space<vmem>>[vector<16xi32>, vector<16xi32>], vector<16xf32>,
      %add3A_121 = arith.constant 21504 : i32
      %add3A_122 = vector.broadcast %add3A_121 : i32 to vector<16xi32>
      %add3A_123 = arith.addi %get3A_45, %add3A_122 : vector<16xi32>
      %jit3A_124 = arith.constant 128 : i32
      %div3A_125 = vector.broadcast %jit3A_124 : i32 to vector<16xi32>
      %div3A_126 = arith.divsi %add3A_123, %div3A_125 : vector<16xi32>
      %sign3A_127 = arith.constant 0 : i32
      %sign3A_128 = vector.broadcast %sign3A_127 : i32 to vector<16xi32>
      %sign3A_129 = arith.cmpi sgt, %add3A_123, %sign3A_128 : vector<16xi32>
      %sign3A_130 = arith.extui %sign3A_129 : vector<16xi1> to vector<16xi32>
      %sign3A_131 = arith.constant 0 : i32
      %sign3A_132 = vector.broadcast %sign3A_131 : i32 to vector<16xi32>
      %sign3A_133 = arith.cmpi slt, %add3A_123, %sign3A_132 : vector<16xi32>
      %sign3A_134 = arith.extui %sign3A_133 : vector<16xi1> to vector<16xi32>
      %sign3A_135 = arith.subi %sign3A_130, %sign3A_134 : vector<16xi32>
      %sign3A_136 = arith.constant 0 : i32
      %sign3A_137 = arith.cmpi sgt, %jit3A_124, %sign3A_136 : i32
      %sign3A_138 = arith.extui %sign3A_137 : i1 to i32
      %sign3A_139 = arith.constant 0 : i32
      %sign3A_140 = arith.cmpi slt, %jit3A_124, %sign3A_139 : i32
      %sign3A_141 = arith.extui %sign3A_140 : i1 to i32
      %sign3A_142 = arith.subi %sign3A_138, %sign3A_141 : i32
      %ne3A_143 = vector.broadcast %sign3A_142 : i32 to vector<16xi32>
      %ne3A_144 = arith.cmpi ne, %sign3A_135, %ne3A_143 : vector<16xi32>
      %rem3A_145 = vector.broadcast %jit3A_124 : i32 to vector<16xi32>
      %rem3A_146 = arith.remsi %add3A_123, %rem3A_145 : vector<16xi32>
      %ne3A_147 = arith.constant 0 : i32
      %ne3A_148 = vector.broadcast %ne3A_147 : i32 to vector<16xi32>
      %ne3A_149 = arith.cmpi ne, %rem3A_146, %ne3A_148 : vector<16xi32>
      %and3A_150 = arith.andi %ne3A_144, %ne3A_149 : vector<16xi1>
      %sub3A_151 = arith.constant 1 : i32
      %sub3A_152 = vector.broadcast %sub3A_151 : i32 to vector<16xi32>
      %sub3A_153 = arith.subi %div3A_126, %sub3A_152 : vector<16xi32>
      %select_n3A_154 = arith.select %and3A_150, %sub3A_153, %div3A_126 : vector<16xi1>, vector<16xi32>
      %jit3A_155 = arith.constant 128 : i32
      %eq3A_156 = arith.constant 0 : i32
      %eq3A_157 = arith.cmpi eq, %jit3A_155, %eq3A_156 : i32
      %jit3A_158 = arith.constant 1 : i32
      %select_n3A_159 = arith.select %eq3A_157, %jit3A_158, %jit3A_155 : i32
      %rem3A_160 = vector.broadcast %select_n3A_159 : i32 to vector<16xi32>
      %rem3A_161 = arith.remsi %add3A_123, %rem3A_160 : vector<16xi32>
      %ne3A_162 = arith.constant 0 : i32
      %ne3A_163 = vector.broadcast %ne3A_162 : i32 to vector<16xi32>
      %ne3A_164 = arith.cmpi ne, %rem3A_161, %ne3A_163 : vector<16xi32>
      %lt3A_165 = arith.constant 0 : i32
      %lt3A_166 = vector.broadcast %lt3A_165 : i32 to vector<16xi32>
      %lt3A_167 = arith.cmpi slt, %rem3A_161, %lt3A_166 : vector<16xi32>
      %lt3A_168 = arith.constant 0 : i32
      %lt3A_169 = arith.cmpi slt, %select_n3A_159, %lt3A_168 : i32
      %ne3A_170 = vector.broadcast %lt3A_169 : i1 to vector<16xi1>
      %ne3A_171 = vector.broadcast %ne3A_170 : vector<16xi1> to vector<16xi1>
      %ne3A_172 = arith.xori %lt3A_167, %ne3A_171 : vector<16xi1>
      %and3A_173 = arith.andi %ne3A_172, %ne3A_164 : vector<16xi1>
      %add3A_174 = vector.broadcast %select_n3A_159 : i32 to vector<16xi32>
      %add3A_175 = arith.addi %rem3A_161, %add3A_174 : vector<16xi32>
      %select_n3A_176 = arith.select %and3A_173, %add3A_175, %rem3A_161 : vector<16xi1>, vector<16xi32>
      tpu.vector_store_idx %arg14[%select_n3A_154, %select_n3A_176], %sub3A_65 {add = true} : memref<336x128xf32, #tpu.memory_space<vmem>>[vector<16xi32>, vector<16xi32>], vector<16xf32>,
      %add3A_177 = arith.constant 21504 : i32
      %add3A_178 = vector.broadcast %add3A_177 : i32 to vector<16xi32>
      %add3A_179 = arith.addi %get3A_49, %add3A_178 : vector<16xi32>
      %jit3A_180 = arith.constant 128 : i32
      %div3A_181 = vector.broadcast %jit3A_180 : i32 to vector<16xi32>
      %div3A_182 = arith.divsi %add3A_179, %div3A_181 : vector<16xi32>
      %sign3A_183 = arith.constant 0 : i32
      %sign3A_184 = vector.broadcast %sign3A_183 : i32 to vector<16xi32>
      %sign3A_185 = arith.cmpi sgt, %add3A_179, %sign3A_184 : vector<16xi32>
      %sign3A_186 = arith.extui %sign3A_185 : vector<16xi1> to vector<16xi32>
      %sign3A_187 = arith.constant 0 : i32
      %sign3A_188 = vector.broadcast %sign3A_187 : i32 to vector<16xi32>
      %sign3A_189 = arith.cmpi slt, %add3A_179, %sign3A_188 : vector<16xi32>
      %sign3A_190 = arith.extui %sign3A_189 : vector<16xi1> to vector<16xi32>
      %sign3A_191 = arith.subi %sign3A_186, %sign3A_190 : vector<16xi32>
      %sign3A_192 = arith.constant 0 : i32
      %sign3A_193 = arith.cmpi sgt, %jit3A_180, %sign3A_192 : i32
      %sign3A_194 = arith.extui %sign3A_193 : i1 to i32
      %sign3A_195 = arith.constant 0 : i32
      %sign3A_196 = arith.cmpi slt, %jit3A_180, %sign3A_195 : i32
      %sign3A_197 = arith.extui %sign3A_196 : i1 to i32
      %sign3A_198 = arith.subi %sign3A_194, %sign3A_197 : i32
      %ne3A_199 = vector.broadcast %sign3A_198 : i32 to vector<16xi32>
      %ne3A_200 = arith.cmpi ne, %sign3A_191, %ne3A_199 : vector<16xi32>
      %rem3A_201 = vector.broadcast %jit3A_180 : i32 to vector<16xi32>
      %rem3A_202 = arith.remsi %add3A_179, %rem3A_201 : vector<16xi32>
      %ne3A_203 = arith.constant 0 : i32
      %ne3A_204 = vector.broadcast %ne3A_203 : i32 to vector<16xi32>
      %ne3A_205 = arith.cmpi ne, %rem3A_202, %ne3A_204 : vector<16xi32>
      %and3A_206 = arith.andi %ne3A_200, %ne3A_205 : vector<16xi1>
      %sub3A_207 = arith.constant 1 : i32
      %sub3A_208 = vector.broadcast %sub3A_207 : i32 to vector<16xi32>
      %sub3A_209 = arith.subi %div3A_182, %sub3A_208 : vector<16xi32>
      %select_n3A_210 = arith.select %and3A_206, %sub3A_209, %div3A_182 : vector<16xi1>, vector<16xi32>
      %jit3A_211 = arith.constant 128 : i32
      %eq3A_212 = arith.constant 0 : i32
      %eq3A_213 = arith.cmpi eq, %jit3A_211, %eq3A_212 : i32
      %jit3A_214 = arith.constant 1 : i32
      %select_n3A_215 = arith.select %eq3A_213, %jit3A_214, %jit3A_211 : i32
      %rem3A_216 = vector.broadcast %select_n3A_215 : i32 to vector<16xi32>
      %rem3A_217 = arith.remsi %add3A_179, %rem3A_216 : vector<16xi32>
      %ne3A_218 = arith.constant 0 : i32
      %ne3A_219 = vector.broadcast %ne3A_218 : i32 to vector<16xi32>
      %ne3A_220 = arith.cmpi ne, %rem3A_217, %ne3A_219 : vector<16xi32>
      %lt3A_221 = arith.constant 0 : i32
      %lt3A_222 = vector.broadcast %lt3A_221 : i32 to vector<16xi32>
      %lt3A_223 = arith.cmpi slt, %rem3A_217, %lt3A_222 : vector<16xi32>
      %lt3A_224 = arith.constant 0 : i32
      %lt3A_225 = arith.cmpi slt, %select_n3A_215, %lt3A_224 : i32
      %ne3A_226 = vector.broadcast %lt3A_225 : i1 to vector<16xi1>
      %ne3A_227 = vector.broadcast %ne3A_226 : vector<16xi1> to vector<16xi1>
      %ne3A_228 = arith.xori %lt3A_223, %ne3A_227 : vector<16xi1>
      %and3A_229 = arith.andi %ne3A_228, %ne3A_220 : vector<16xi1>
      %add3A_230 = vector.broadcast %select_n3A_215 : i32 to vector<16xi32>
      %add3A_231 = arith.addi %rem3A_217, %add3A_230 : vector<16xi32>
      %select_n3A_232 = arith.select %and3A_229, %add3A_231, %rem3A_217 : vector<16xi1>, vector<16xi32>
      tpu.vector_store_idx %arg14[%select_n3A_210, %select_n3A_232], %sub3A_65 {add = true} : memref<336x128xf32, #tpu.memory_space<vmem>>[vector<16xi32>, vector<16xi32>], vector<16xf32>,
      %add3A_233 = arith.constant 28672 : i32
      %add3A_234 = vector.broadcast %add3A_233 : i32 to vector<16xi32>
      %add3A_235 = arith.addi %get3A_41, %add3A_234 : vector<16xi32>
      %jit3A_236 = arith.constant 128 : i32
      %div3A_237 = vector.broadcast %jit3A_236 : i32 to vector<16xi32>
      %div3A_238 = arith.divsi %add3A_235, %div3A_237 : vector<16xi32>
      %sign3A_239 = arith.constant 0 : i32
      %sign3A_240 = vector.broadcast %sign3A_239 : i32 to vector<16xi32>
      %sign3A_241 = arith.cmpi sgt, %add3A_235, %sign3A_240 : vector<16xi32>
      %sign3A_242 = arith.extui %sign3A_241 : vector<16xi1> to vector<16xi32>
      %sign3A_243 = arith.constant 0 : i32
      %sign3A_244 = vector.broadcast %sign3A_243 : i32 to vector<16xi32>
      %sign3A_245 = arith.cmpi slt, %add3A_235, %sign3A_244 : vector<16xi32>
      %sign3A_246 = arith.extui %sign3A_245 : vector<16xi1> to vector<16xi32>
      %sign3A_247 = arith.subi %sign3A_242, %sign3A_246 : vector<16xi32>
      %sign3A_248 = arith.constant 0 : i32
      %sign3A_249 = arith.cmpi sgt, %jit3A_236, %sign3A_248 : i32
      %sign3A_250 = arith.extui %sign3A_249 : i1 to i32
      %sign3A_251 = arith.constant 0 : i32
      %sign3A_252 = arith.cmpi slt, %jit3A_236, %sign3A_251 : i32
      %sign3A_253 = arith.extui %sign3A_252 : i1 to i32
      %sign3A_254 = arith.subi %sign3A_250, %sign3A_253 : i32
      %ne3A_255 = vector.broadcast %sign3A_254 : i32 to vector<16xi32>
      %ne3A_256 = arith.cmpi ne, %sign3A_247, %ne3A_255 : vector<16xi32>
      %rem3A_257 = vector.broadcast %jit3A_236 : i32 to vector<16xi32>
      %rem3A_258 = arith.remsi %add3A_235, %rem3A_257 : vector<16xi32>
      %ne3A_259 = arith.constant 0 : i32
      %ne3A_260 = vector.broadcast %ne3A_259 : i32 to vector<16xi32>
      %ne3A_261 = arith.cmpi ne, %rem3A_258, %ne3A_260 : vector<16xi32>
      %and3A_262 = arith.andi %ne3A_256, %ne3A_261 : vector<16xi1>
      %sub3A_263 = arith.constant 1 : i32
      %sub3A_264 = vector.broadcast %sub3A_263 : i32 to vector<16xi32>
      %sub3A_265 = arith.subi %div3A_238, %sub3A_264 : vector<16xi32>
      %select_n3A_266 = arith.select %and3A_262, %sub3A_265, %div3A_238 : vector<16xi1>, vector<16xi32>
      %jit3A_267 = arith.constant 128 : i32
      %eq3A_268 = arith.constant 0 : i32
      %eq3A_269 = arith.cmpi eq, %jit3A_267, %eq3A_268 : i32
      %jit3A_270 = arith.constant 1 : i32
      %select_n3A_271 = arith.select %eq3A_269, %jit3A_270, %jit3A_267 : i32
      %rem3A_272 = vector.broadcast %select_n3A_271 : i32 to vector<16xi32>
      %rem3A_273 = arith.remsi %add3A_235, %rem3A_272 : vector<16xi32>
      %ne3A_274 = arith.constant 0 : i32
      %ne3A_275 = vector.broadcast %ne3A_274 : i32 to vector<16xi32>
      %ne3A_276 = arith.cmpi ne, %rem3A_273, %ne3A_275 : vector<16xi32>
      %lt3A_277 = arith.constant 0 : i32
      %lt3A_278 = vector.broadcast %lt3A_277 : i32 to vector<16xi32>
      %lt3A_279 = arith.cmpi slt, %rem3A_273, %lt3A_278 : vector<16xi32>
      %lt3A_280 = arith.constant 0 : i32
      %lt3A_281 = arith.cmpi slt, %select_n3A_271, %lt3A_280 : i32
      %ne3A_282 = vector.broadcast %lt3A_281 : i1 to vector<16xi1>
      %ne3A_283 = vector.broadcast %ne3A_282 : vector<16xi1> to vector<16xi1>
      %ne3A_284 = arith.xori %lt3A_279, %ne3A_283 : vector<16xi1>
      %and3A_285 = arith.andi %ne3A_284, %ne3A_276 : vector<16xi1>
      %add3A_286 = vector.broadcast %select_n3A_271 : i32 to vector<16xi32>
      %add3A_287 = arith.addi %rem3A_273, %add3A_286 : vector<16xi32>
      %select_n3A_288 = arith.select %and3A_285, %add3A_287, %rem3A_273 : vector<16xi1>, vector<16xi32>
      tpu.vector_store_idx %arg14[%select_n3A_266, %select_n3A_288], %sub3A_68 {add = true} : memref<336x128xf32, #tpu.memory_space<vmem>>[vector<16xi32>, vector<16xi32>], vector<16xf32>,
      %add3A_289 = arith.constant 28672 : i32
      %add3A_290 = vector.broadcast %add3A_289 : i32 to vector<16xi32>
      %add3A_291 = arith.addi %get3A_45, %add3A_290 : vector<16xi32>
      %jit3A_292 = arith.constant 128 : i32
      %div3A_293 = vector.broadcast %jit3A_292 : i32 to vector<16xi32>
      %div3A_294 = arith.divsi %add3A_291, %div3A_293 : vector<16xi32>
      %sign3A_295 = arith.constant 0 : i32
      %sign3A_296 = vector.broadcast %sign3A_295 : i32 to vector<16xi32>
      %sign3A_297 = arith.cmpi sgt, %add3A_291, %sign3A_296 : vector<16xi32>
      %sign3A_298 = arith.extui %sign3A_297 : vector<16xi1> to vector<16xi32>
      %sign3A_299 = arith.constant 0 : i32
      %sign3A_300 = vector.broadcast %sign3A_299 : i32 to vector<16xi32>
      %sign3A_301 = arith.cmpi slt, %add3A_291, %sign3A_300 : vector<16xi32>
      %sign3A_302 = arith.extui %sign3A_301 : vector<16xi1> to vector<16xi32>
      %sign3A_303 = arith.subi %sign3A_298, %sign3A_302 : vector<16xi32>
      %sign3A_304 = arith.constant 0 : i32
      %sign3A_305 = arith.cmpi sgt, %jit3A_292, %sign3A_304 : i32
      %sign3A_306 = arith.extui %sign3A_305 : i1 to i32
      %sign3A_307 = arith.constant 0 : i32
      %sign3A_308 = arith.cmpi slt, %jit3A_292, %sign3A_307 : i32
      %sign3A_309 = arith.extui %sign3A_308 : i1 to i32
      %sign3A_310 = arith.subi %sign3A_306, %sign3A_309 : i32
      %ne3A_311 = vector.broadcast %sign3A_310 : i32 to vector<16xi32>
      %ne3A_312 = arith.cmpi ne, %sign3A_303, %ne3A_311 : vector<16xi32>
      %rem3A_313 = vector.broadcast %jit3A_292 : i32 to vector<16xi32>
      %rem3A_314 = arith.remsi %add3A_291, %rem3A_313 : vector<16xi32>
      %ne3A_315 = arith.constant 0 : i32
      %ne3A_316 = vector.broadcast %ne3A_315 : i32 to vector<16xi32>
      %ne3A_317 = arith.cmpi ne, %rem3A_314, %ne3A_316 : vector<16xi32>
      %and3A_318 = arith.andi %ne3A_312, %ne3A_317 : vector<16xi1>
      %sub3A_319 = arith.constant 1 : i32
      %sub3A_320 = vector.broadcast %sub3A_319 : i32 to vector<16xi32>
      %sub3A_321 = arith.subi %div3A_294, %sub3A_320 : vector<16xi32>
      %select_n3A_322 = arith.select %and3A_318, %sub3A_321, %div3A_294 : vector<16xi1>, vector<16xi32>
      %jit3A_323 = arith.constant 128 : i32
      %eq3A_324 = arith.constant 0 : i32
      %eq3A_325 = arith.cmpi eq, %jit3A_323, %eq3A_324 : i32
      %jit3A_326 = arith.constant 1 : i32
      %select_n3A_327 = arith.select %eq3A_325, %jit3A_326, %jit3A_323 : i32
      %rem3A_328 = vector.broadcast %select_n3A_327 : i32 to vector<16xi32>
      %rem3A_329 = arith.remsi %add3A_291, %rem3A_328 : vector<16xi32>
      %ne3A_330 = arith.constant 0 : i32
      %ne3A_331 = vector.broadcast %ne3A_330 : i32 to vector<16xi32>
      %ne3A_332 = arith.cmpi ne, %rem3A_329, %ne3A_331 : vector<16xi32>
      %lt3A_333 = arith.constant 0 : i32
      %lt3A_334 = vector.broadcast %lt3A_333 : i32 to vector<16xi32>
      %lt3A_335 = arith.cmpi slt, %rem3A_329, %lt3A_334 : vector<16xi32>
      %lt3A_336 = arith.constant 0 : i32
      %lt3A_337 = arith.cmpi slt, %select_n3A_327, %lt3A_336 : i32
      %ne3A_338 = vector.broadcast %lt3A_337 : i1 to vector<16xi1>
      %ne3A_339 = vector.broadcast %ne3A_338 : vector<16xi1> to vector<16xi1>
      %ne3A_340 = arith.xori %lt3A_335, %ne3A_339 : vector<16xi1>
      %and3A_341 = arith.andi %ne3A_340, %ne3A_332 : vector<16xi1>
      %add3A_342 = vector.broadcast %select_n3A_327 : i32 to vector<16xi32>
      %add3A_343 = arith.addi %rem3A_329, %add3A_342 : vector<16xi32>
      %select_n3A_344 = arith.select %and3A_341, %add3A_343, %rem3A_329 : vector<16xi1>, vector<16xi32>
      tpu.vector_store_idx %arg14[%select_n3A_322, %select_n3A_344], %sub3A_68 {add = true} : memref<336x128xf32, #tpu.memory_space<vmem>>[vector<16xi32>, vector<16xi32>], vector<16xf32>,
      %add3A_345 = arith.constant 28672 : i32
      %add3A_346 = vector.broadcast %add3A_345 : i32 to vector<16xi32>
      %add3A_347 = arith.addi %get3A_49, %add3A_346 : vector<16xi32>
      %jit3A_348 = arith.constant 128 : i32
      %div3A_349 = vector.broadcast %jit3A_348 : i32 to vector<16xi32>
      %div3A_350 = arith.divsi %add3A_347, %div3A_349 : vector<16xi32>
      %sign3A_351 = arith.constant 0 : i32
      %sign3A_352 = vector.broadcast %sign3A_351 : i32 to vector<16xi32>
      %sign3A_353 = arith.cmpi sgt, %add3A_347, %sign3A_352 : vector<16xi32>
      %sign3A_354 = arith.extui %sign3A_353 : vector<16xi1> to vector<16xi32>
      %sign3A_355 = arith.constant 0 : i32
      %sign3A_356 = vector.broadcast %sign3A_355 : i32 to vector<16xi32>
      %sign3A_357 = arith.cmpi slt, %add3A_347, %sign3A_356 : vector<16xi32>
      %sign3A_358 = arith.extui %sign3A_357 : vector<16xi1> to vector<16xi32>
      %sign3A_359 = arith.subi %sign3A_354, %sign3A_358 : vector<16xi32>
      %sign3A_360 = arith.constant 0 : i32
      %sign3A_361 = arith.cmpi sgt, %jit3A_348, %sign3A_360 : i32
      %sign3A_362 = arith.extui %sign3A_361 : i1 to i32
      %sign3A_363 = arith.constant 0 : i32
      %sign3A_364 = arith.cmpi slt, %jit3A_348, %sign3A_363 : i32
      %sign3A_365 = arith.extui %sign3A_364 : i1 to i32
      %sign3A_366 = arith.subi %sign3A_362, %sign3A_365 : i32
      %ne3A_367 = vector.broadcast %sign3A_366 : i32 to vector<16xi32>
      %ne3A_368 = arith.cmpi ne, %sign3A_359, %ne3A_367 : vector<16xi32>
      %rem3A_369 = vector.broadcast %jit3A_348 : i32 to vector<16xi32>
      %rem3A_370 = arith.remsi %add3A_347, %rem3A_369 : vector<16xi32>
      %ne3A_371 = arith.constant 0 : i32
      %ne3A_372 = vector.broadcast %ne3A_371 : i32 to vector<16xi32>
      %ne3A_373 = arith.cmpi ne, %rem3A_370, %ne3A_372 : vector<16xi32>
      %and3A_374 = arith.andi %ne3A_368, %ne3A_373 : vector<16xi1>
      %sub3A_375 = arith.constant 1 : i32
      %sub3A_376 = vector.broadcast %sub3A_375 : i32 to vector<16xi32>
      %sub3A_377 = arith.subi %div3A_350, %sub3A_376 : vector<16xi32>
      %select_n3A_378 = arith.select %and3A_374, %sub3A_377, %div3A_350 : vector<16xi1>, vector<16xi32>
      %jit3A_379 = arith.constant 128 : i32
      %eq3A_380 = arith.constant 0 : i32
      %eq3A_381 = arith.cmpi eq, %jit3A_379, %eq3A_380 : i32
      %jit3A_382 = arith.constant 1 : i32
      %select_n3A_383 = arith.select %eq3A_381, %jit3A_382, %jit3A_379 : i32
      %rem3A_384 = vector.broadcast %select_n3A_383 : i32 to vector<16xi32>
      %rem3A_385 = arith.remsi %add3A_347, %rem3A_384 : vector<16xi32>
      %ne3A_386 = arith.constant 0 : i32
      %ne3A_387 = vector.broadcast %ne3A_386 : i32 to vector<16xi32>
      %ne3A_388 = arith.cmpi ne, %rem3A_385, %ne3A_387 : vector<16xi32>
      %lt3A_389 = arith.constant 0 : i32
      %lt3A_390 = vector.broadcast %lt3A_389 : i32 to vector<16xi32>
      %lt3A_391 = arith.cmpi slt, %rem3A_385, %lt3A_390 : vector<16xi32>
      %lt3A_392 = arith.constant 0 : i32
      %lt3A_393 = arith.cmpi slt, %select_n3A_383, %lt3A_392 : i32
      %ne3A_394 = vector.broadcast %lt3A_393 : i1 to vector<16xi1>
      %ne3A_395 = vector.broadcast %ne3A_394 : vector<16xi1> to vector<16xi1>
      %ne3A_396 = arith.xori %lt3A_391, %ne3A_395 : vector<16xi1>
      %and3A_397 = arith.andi %ne3A_396, %ne3A_388 : vector<16xi1>
      %add3A_398 = vector.broadcast %select_n3A_383 : i32 to vector<16xi32>
      %add3A_399 = arith.addi %rem3A_385, %add3A_398 : vector<16xi32>
      %select_n3A_400 = arith.select %and3A_397, %add3A_399, %rem3A_385 : vector<16xi1>, vector<16xi32>
      tpu.vector_store_idx %arg14[%select_n3A_378, %select_n3A_400], %sub3A_68 {add = true} : memref<336x128xf32, #tpu.memory_space<vmem>>[vector<16xi32>, vector<16xi32>], vector<16xf32>,
      %add3A_401 = arith.constant 35840 : i32
      %add3A_402 = vector.broadcast %add3A_401 : i32 to vector<16xi32>
      %add3A_403 = arith.addi %get3A_41, %add3A_402 : vector<16xi32>
      %jit3A_404 = arith.constant 128 : i32
      %div3A_405 = vector.broadcast %jit3A_404 : i32 to vector<16xi32>
      %div3A_406 = arith.divsi %add3A_403, %div3A_405 : vector<16xi32>
      %sign3A_407 = arith.constant 0 : i32
      %sign3A_408 = vector.broadcast %sign3A_407 : i32 to vector<16xi32>
      %sign3A_409 = arith.cmpi sgt, %add3A_403, %sign3A_408 : vector<16xi32>
      %sign3A_410 = arith.extui %sign3A_409 : vector<16xi1> to vector<16xi32>
      %sign3A_411 = arith.constant 0 : i32
      %sign3A_412 = vector.broadcast %sign3A_411 : i32 to vector<16xi32>
      %sign3A_413 = arith.cmpi slt, %add3A_403, %sign3A_412 : vector<16xi32>
      %sign3A_414 = arith.extui %sign3A_413 : vector<16xi1> to vector<16xi32>
      %sign3A_415 = arith.subi %sign3A_410, %sign3A_414 : vector<16xi32>
      %sign3A_416 = arith.constant 0 : i32
      %sign3A_417 = arith.cmpi sgt, %jit3A_404, %sign3A_416 : i32
      %sign3A_418 = arith.extui %sign3A_417 : i1 to i32
      %sign3A_419 = arith.constant 0 : i32
      %sign3A_420 = arith.cmpi slt, %jit3A_404, %sign3A_419 : i32
      %sign3A_421 = arith.extui %sign3A_420 : i1 to i32
      %sign3A_422 = arith.subi %sign3A_418, %sign3A_421 : i32
      %ne3A_423 = vector.broadcast %sign3A_422 : i32 to vector<16xi32>
      %ne3A_424 = arith.cmpi ne, %sign3A_415, %ne3A_423 : vector<16xi32>
      %rem3A_425 = vector.broadcast %jit3A_404 : i32 to vector<16xi32>
      %rem3A_426 = arith.remsi %add3A_403, %rem3A_425 : vector<16xi32>
      %ne3A_427 = arith.constant 0 : i32
      %ne3A_428 = vector.broadcast %ne3A_427 : i32 to vector<16xi32>
      %ne3A_429 = arith.cmpi ne, %rem3A_426, %ne3A_428 : vector<16xi32>
      %and3A_430 = arith.andi %ne3A_424, %ne3A_429 : vector<16xi1>
      %sub3A_431 = arith.constant 1 : i32
      %sub3A_432 = vector.broadcast %sub3A_431 : i32 to vector<16xi32>
      %sub3A_433 = arith.subi %div3A_406, %sub3A_432 : vector<16xi32>
      %select_n3A_434 = arith.select %and3A_430, %sub3A_433, %div3A_406 : vector<16xi1>, vector<16xi32>
      %jit3A_435 = arith.constant 128 : i32
      %eq3A_436 = arith.constant 0 : i32
      %eq3A_437 = arith.cmpi eq, %jit3A_435, %eq3A_436 : i32
      %jit3A_438 = arith.constant 1 : i32
      %select_n3A_439 = arith.select %eq3A_437, %jit3A_438, %jit3A_435 : i32
      %rem3A_440 = vector.broadcast %select_n3A_439 : i32 to vector<16xi32>
      %rem3A_441 = arith.remsi %add3A_403, %rem3A_440 : vector<16xi32>
      %ne3A_442 = arith.constant 0 : i32
      %ne3A_443 = vector.broadcast %ne3A_442 : i32 to vector<16xi32>
      %ne3A_444 = arith.cmpi ne, %rem3A_441, %ne3A_443 : vector<16xi32>
      %lt3A_445 = arith.constant 0 : i32
      %lt3A_446 = vector.broadcast %lt3A_445 : i32 to vector<16xi32>
      %lt3A_447 = arith.cmpi slt, %rem3A_441, %lt3A_446 : vector<16xi32>
      %lt3A_448 = arith.constant 0 : i32
      %lt3A_449 = arith.cmpi slt, %select_n3A_439, %lt3A_448 : i32
      %ne3A_450 = vector.broadcast %lt3A_449 : i1 to vector<16xi1>
      %ne3A_451 = vector.broadcast %ne3A_450 : vector<16xi1> to vector<16xi1>
      %ne3A_452 = arith.xori %lt3A_447, %ne3A_451 : vector<16xi1>
      %and3A_453 = arith.andi %ne3A_452, %ne3A_444 : vector<16xi1>
      %add3A_454 = vector.broadcast %select_n3A_439 : i32 to vector<16xi32>
      %add3A_455 = arith.addi %rem3A_441, %add3A_454 : vector<16xi32>
      %select_n3A_456 = arith.select %and3A_453, %add3A_455, %rem3A_441 : vector<16xi1>, vector<16xi32>
      tpu.vector_store_idx %arg14[%select_n3A_434, %select_n3A_456], %sub3A_71 {add = true} : memref<336x128xf32, #tpu.memory_space<vmem>>[vector<16xi32>, vector<16xi32>], vector<16xf32>,
      %add3A_457 = arith.constant 35840 : i32
      %add3A_458 = vector.broadcast %add3A_457 : i32 to vector<16xi32>
      %add3A_459 = arith.addi %get3A_45, %add3A_458 : vector<16xi32>
      %jit3A_460 = arith.constant 128 : i32
      %div3A_461 = vector.broadcast %jit3A_460 : i32 to vector<16xi32>
      %div3A_462 = arith.divsi %add3A_459, %div3A_461 : vector<16xi32>
      %sign3A_463 = arith.constant 0 : i32
      %sign3A_464 = vector.broadcast %sign3A_463 : i32 to vector<16xi32>
      %sign3A_465 = arith.cmpi sgt, %add3A_459, %sign3A_464 : vector<16xi32>
      %sign3A_466 = arith.extui %sign3A_465 : vector<16xi1> to vector<16xi32>
      %sign3A_467 = arith.constant 0 : i32
      %sign3A_468 = vector.broadcast %sign3A_467 : i32 to vector<16xi32>
      %sign3A_469 = arith.cmpi slt, %add3A_459, %sign3A_468 : vector<16xi32>
      %sign3A_470 = arith.extui %sign3A_469 : vector<16xi1> to vector<16xi32>
      %sign3A_471 = arith.subi %sign3A_466, %sign3A_470 : vector<16xi32>
      %sign3A_472 = arith.constant 0 : i32
      %sign3A_473 = arith.cmpi sgt, %jit3A_460, %sign3A_472 : i32
      %sign3A_474 = arith.extui %sign3A_473 : i1 to i32
      %sign3A_475 = arith.constant 0 : i32
      %sign3A_476 = arith.cmpi slt, %jit3A_460, %sign3A_475 : i32
      %sign3A_477 = arith.extui %sign3A_476 : i1 to i32
      %sign3A_478 = arith.subi %sign3A_474, %sign3A_477 : i32
      %ne3A_479 = vector.broadcast %sign3A_478 : i32 to vector<16xi32>
      %ne3A_480 = arith.cmpi ne, %sign3A_471, %ne3A_479 : vector<16xi32>
      %rem3A_481 = vector.broadcast %jit3A_460 : i32 to vector<16xi32>
      %rem3A_482 = arith.remsi %add3A_459, %rem3A_481 : vector<16xi32>
      %ne3A_483 = arith.constant 0 : i32
      %ne3A_484 = vector.broadcast %ne3A_483 : i32 to vector<16xi32>
      %ne3A_485 = arith.cmpi ne, %rem3A_482, %ne3A_484 : vector<16xi32>
      %and3A_486 = arith.andi %ne3A_480, %ne3A_485 : vector<16xi1>
      %sub3A_487 = arith.constant 1 : i32
      %sub3A_488 = vector.broadcast %sub3A_487 : i32 to vector<16xi32>
      %sub3A_489 = arith.subi %div3A_462, %sub3A_488 : vector<16xi32>
      %select_n3A_490 = arith.select %and3A_486, %sub3A_489, %div3A_462 : vector<16xi1>, vector<16xi32>
      %jit3A_491 = arith.constant 128 : i32
      %eq3A_492 = arith.constant 0 : i32
      %eq3A_493 = arith.cmpi eq, %jit3A_491, %eq3A_492 : i32
      %jit3A_494 = arith.constant 1 : i32
      %select_n3A_495 = arith.select %eq3A_493, %jit3A_494, %jit3A_491 : i32
      %rem3A_496 = vector.broadcast %select_n3A_495 : i32 to vector<16xi32>
      %rem3A_497 = arith.remsi %add3A_459, %rem3A_496 : vector<16xi32>
      %ne3A_498 = arith.constant 0 : i32
      %ne3A_499 = vector.broadcast %ne3A_498 : i32 to vector<16xi32>
      %ne3A_500 = arith.cmpi ne, %rem3A_497, %ne3A_499 : vector<16xi32>
      %lt3A_501 = arith.constant 0 : i32
      %lt3A_502 = vector.broadcast %lt3A_501 : i32 to vector<16xi32>
      %lt3A_503 = arith.cmpi slt, %rem3A_497, %lt3A_502 : vector<16xi32>
      %lt3A_504 = arith.constant 0 : i32
      %lt3A_505 = arith.cmpi slt, %select_n3A_495, %lt3A_504 : i32
      %ne3A_506 = vector.broadcast %lt3A_505 : i1 to vector<16xi1>
      %ne3A_507 = vector.broadcast %ne3A_506 : vector<16xi1> to vector<16xi1>
      %ne3A_508 = arith.xori %lt3A_503, %ne3A_507 : vector<16xi1>
      %and3A_509 = arith.andi %ne3A_508, %ne3A_500 : vector<16xi1>
      %add3A_510 = vector.broadcast %select_n3A_495 : i32 to vector<16xi32>
      %add3A_511 = arith.addi %rem3A_497, %add3A_510 : vector<16xi32>
      %select_n3A_512 = arith.select %and3A_509, %add3A_511, %rem3A_497 : vector<16xi1>, vector<16xi32>
      tpu.vector_store_idx %arg14[%select_n3A_490, %select_n3A_512], %sub3A_71 {add = true} : memref<336x128xf32, #tpu.memory_space<vmem>>[vector<16xi32>, vector<16xi32>], vector<16xf32>,
      %add3A_513 = arith.constant 35840 : i32
      %add3A_514 = vector.broadcast %add3A_513 : i32 to vector<16xi32>
      %add3A_515 = arith.addi %get3A_49, %add3A_514 : vector<16xi32>
      %jit3A_516 = arith.constant 128 : i32
      %div3A_517 = vector.broadcast %jit3A_516 : i32 to vector<16xi32>
      %div3A_518 = arith.divsi %add3A_515, %div3A_517 : vector<16xi32>
      %sign3A_519 = arith.constant 0 : i32
      %sign3A_520 = vector.broadcast %sign3A_519 : i32 to vector<16xi32>
      %sign3A_521 = arith.cmpi sgt, %add3A_515, %sign3A_520 : vector<16xi32>
      %sign3A_522 = arith.extui %sign3A_521 : vector<16xi1> to vector<16xi32>
      %sign3A_523 = arith.constant 0 : i32
      %sign3A_524 = vector.broadcast %sign3A_523 : i32 to vector<16xi32>
      %sign3A_525 = arith.cmpi slt, %add3A_515, %sign3A_524 : vector<16xi32>
      %sign3A_526 = arith.extui %sign3A_525 : vector<16xi1> to vector<16xi32>
      %sign3A_527 = arith.subi %sign3A_522, %sign3A_526 : vector<16xi32>
      %sign3A_528 = arith.constant 0 : i32
      %sign3A_529 = arith.cmpi sgt, %jit3A_516, %sign3A_528 : i32
      %sign3A_530 = arith.extui %sign3A_529 : i1 to i32
      %sign3A_531 = arith.constant 0 : i32
      %sign3A_532 = arith.cmpi slt, %jit3A_516, %sign3A_531 : i32
      %sign3A_533 = arith.extui %sign3A_532 : i1 to i32
      %sign3A_534 = arith.subi %sign3A_530, %sign3A_533 : i32
      %ne3A_535 = vector.broadcast %sign3A_534 : i32 to vector<16xi32>
      %ne3A_536 = arith.cmpi ne, %sign3A_527, %ne3A_535 : vector<16xi32>
      %rem3A_537 = vector.broadcast %jit3A_516 : i32 to vector<16xi32>
      %rem3A_538 = arith.remsi %add3A_515, %rem3A_537 : vector<16xi32>
      %ne3A_539 = arith.constant 0 : i32
      %ne3A_540 = vector.broadcast %ne3A_539 : i32 to vector<16xi32>
      %ne3A_541 = arith.cmpi ne, %rem3A_538, %ne3A_540 : vector<16xi32>
      %and3A_542 = arith.andi %ne3A_536, %ne3A_541 : vector<16xi1>
      %sub3A_543 = arith.constant 1 : i32
      %sub3A_544 = vector.broadcast %sub3A_543 : i32 to vector<16xi32>
      %sub3A_545 = arith.subi %div3A_518, %sub3A_544 : vector<16xi32>
      %select_n3A_546 = arith.select %and3A_542, %sub3A_545, %div3A_518 : vector<16xi1>, vector<16xi32>
      %jit3A_547 = arith.constant 128 : i32
      %eq3A_548 = arith.constant 0 : i32
      %eq3A_549 = arith.cmpi eq, %jit3A_547, %eq3A_548 : i32
      %jit3A_550 = arith.constant 1 : i32
      %select_n3A_551 = arith.select %eq3A_549, %jit3A_550, %jit3A_547 : i32
      %rem3A_552 = vector.broadcast %select_n3A_551 : i32 to vector<16xi32>
      %rem3A_553 = arith.remsi %add3A_515, %rem3A_552 : vector<16xi32>
      %ne3A_554 = arith.constant 0 : i32
      %ne3A_555 = vector.broadcast %ne3A_554 : i32 to vector<16xi32>
      %ne3A_556 = arith.cmpi ne, %rem3A_553, %ne3A_555 : vector<16xi32>
      %lt3A_557 = arith.constant 0 : i32
      %lt3A_558 = vector.broadcast %lt3A_557 : i32 to vector<16xi32>
      %lt3A_559 = arith.cmpi slt, %rem3A_553, %lt3A_558 : vector<16xi32>
      %lt3A_560 = arith.constant 0 : i32
      %lt3A_561 = arith.cmpi slt, %select_n3A_551, %lt3A_560 : i32
      %ne3A_562 = vector.broadcast %lt3A_561 : i1 to vector<16xi1>
      %ne3A_563 = vector.broadcast %ne3A_562 : vector<16xi1> to vector<16xi1>
      %ne3A_564 = arith.xori %lt3A_559, %ne3A_563 : vector<16xi1>
      %and3A_565 = arith.andi %ne3A_564, %ne3A_556 : vector<16xi1>
      %add3A_566 = vector.broadcast %select_n3A_551 : i32 to vector<16xi32>
      %add3A_567 = arith.addi %rem3A_553, %add3A_566 : vector<16xi32>
      %select_n3A_568 = arith.select %and3A_565, %add3A_567, %rem3A_553 : vector<16xi1>, vector<16xi32>
      tpu.vector_store_idx %arg14[%select_n3A_546, %select_n3A_568], %sub3A_71 {add = true} : memref<336x128xf32, #tpu.memory_space<vmem>>[vector<16xi32>, vector<16xi32>], vector<16xf32>,
    }
    %scan3A_25 = arith.constant 27 : i32
    %eq3A = arith.constant 0 : i32
    %eq3A_26 = arith.cmpi eq, %arg1, %eq3A : i32
    %convert_element_type3A = arith.extui %eq3A_26 : i1 to i32
    %cond3A = arith.constant 0 : i32
    %cond3A_27 = arith.cmpi ne, %convert_element_type3A, %cond3A : i32
    scf.if %cond3A_27 {
      "tpu.region"() ({
        %run_scoped3A = tpu.sem_alloc : memref<!tpu.dma_semaphore, #tpu.memory_space<semaphore_mem>>
        tpu.enqueue_dma source(%arg14 : memref<336x128xf32, #tpu.memory_space<vmem>>) target(%arg19 : memref<336x128xf32, #tpu.memory_space<vmem_shared>>) target_semaphore(%run_scoped3A : memref<!tpu.dma_semaphore, #tpu.memory_space<semaphore_mem>>)
        tpu.wait_dma2 semaphore(%run_scoped3A : memref<!tpu.dma_semaphore, #tpu.memory_space<semaphore_mem>>) src(%arg14 : memref<336x128xf32, #tpu.memory_space<vmem>>) dst(%arg19 : memref<336x128xf32, #tpu.memory_space<vmem_shared>>)
        tpu.yield
      }) : () -> ()
    } else {
    }
    %barrier3A = arith.constant 0 : index
    tpu.barrier barrier_id(%barrier3A)
    %ne3A = arith.constant 0 : i32
    %ne3A_28 = arith.cmpi ne, %arg1, %ne3A : i32
    %convert_element_type3A_29 = arith.extui %ne3A_28 : i1 to i32
    %cond3A_30 = arith.constant 0 : i32
    %cond3A_31 = arith.cmpi ne, %convert_element_type3A_29, %cond3A_30 : i32
    scf.if %cond3A_31 {
      %run_scoped3A = arith.constant 0 : i32
      "tpu.region"() ({
        %run_scoped3A_40 = tpu.sem_alloc : memref<!tpu.dma_semaphore, #tpu.memory_space<semaphore_mem>>
        %dma_start3A = arith.constant 0 : i32
        %dma_start3A_41 = arith.constant 0 : i32
        %dma_start3A_42 = tpu.memref_slice %arg14[%dma_start3A, %dma_start3A_41] : memref<336x128xf32, #tpu.memory_space<vmem>> -> memref<112x128xf32, #tpu.memory_space<vmem>>
        %dma_start3A_43 = arith.constant 0 : i32
        %dma_start3A_44 = tpu.memref_slice %arg18[%run_scoped3A, %dma_start3A_43] : memref<3x112xi32, #tpu.memory_space<vmem>> -> memref<1x112xi32, #tpu.memory_space<vmem>>
        %dma_start3A_45 = tpu.memref_squeeze %dma_start3A_44 : memref<1x112xi32, #tpu.memory_space<vmem>> -> memref<112xi32, #tpu.memory_space<vmem>>
        %dma_start3A_46 = arith.constant 0 : i32
        %dma_start3A_47 = arith.constant 0 : i32
        %dma_start3A_48 = tpu.memref_slice %arg19[%dma_start3A_46, %dma_start3A_47] : memref<336x128xf32, #tpu.memory_space<vmem_shared>> -> memref<336x128xf32, #tpu.memory_space<vmem_shared>>
        tpu.enqueue_indirect_dma source(%dma_start3A_42 : memref<112x128xf32, #tpu.memory_space<vmem>>) target(%dma_start3A_48 : memref<336x128xf32, #tpu.memory_space<vmem_shared>>) offsets(%dma_start3A_45 : memref<112xi32, #tpu.memory_space<vmem>>) semaphore(%run_scoped3A_40 : memref<!tpu.dma_semaphore, #tpu.memory_space<semaphore_mem>>) {add = true}
        %dma_wait3A = arith.constant 0 : i32
        %dma_wait3A_49 = arith.constant 0 : i32
        %dma_wait3A_50 = tpu.memref_slice %arg14[%dma_wait3A, %dma_wait3A_49] : memref<336x128xf32, #tpu.memory_space<vmem>> -> memref<112x128xf32, #tpu.memory_space<vmem>>
        %dma_wait3A_51 = arith.constant 0 : i32
        %dma_wait3A_52 = tpu.memref_slice %arg18[%run_scoped3A, %dma_wait3A_51] : memref<3x112xi32, #tpu.memory_space<vmem>> -> memref<1x112xi32, #tpu.memory_space<vmem>>
        %dma_wait3A_53 = tpu.memref_squeeze %dma_wait3A_52 : memref<1x112xi32, #tpu.memory_space<vmem>> -> memref<112xi32, #tpu.memory_space<vmem>>
        %dma_wait3A_54 = arith.constant 0 : i32
        %dma_wait3A_55 = arith.constant 0 : i32
        %dma_wait3A_56 = tpu.memref_slice %arg19[%dma_wait3A_54, %dma_wait3A_55] : memref<336x128xf32, #tpu.memory_space<vmem_shared>> -> memref<336x128xf32, #tpu.memory_space<vmem_shared>>
        tpu.wait_indirect_dma semaphore(%run_scoped3A_40 : memref<!tpu.dma_semaphore, #tpu.memory_space<semaphore_mem>>) src(%dma_wait3A_50 : memref<112x128xf32, #tpu.memory_space<vmem>>) dst(%dma_wait3A_56 : memref<336x128xf32, #tpu.memory_space<vmem_shared>>)
        tpu.yield
      }) : () -> ()
      %run_scoped3A_38 = arith.constant 1 : i32
      "tpu.region"() ({
        %run_scoped3A_40 = tpu.sem_alloc : memref<!tpu.dma_semaphore, #tpu.memory_space<semaphore_mem>>
        %dma_start3A = arith.constant 112 : i32
        %dma_start3A_41 = arith.constant 0 : i32
        %dma_start3A_42 = tpu.memref_slice %arg14[%dma_start3A, %dma_start3A_41] : memref<336x128xf32, #tpu.memory_space<vmem>> -> memref<112x128xf32, #tpu.memory_space<vmem>>
        %dma_start3A_43 = arith.constant 0 : i32
        %dma_start3A_44 = tpu.memref_slice %arg18[%run_scoped3A_38, %dma_start3A_43] : memref<3x112xi32, #tpu.memory_space<vmem>> -> memref<1x112xi32, #tpu.memory_space<vmem>>
        %dma_start3A_45 = tpu.memref_squeeze %dma_start3A_44 : memref<1x112xi32, #tpu.memory_space<vmem>> -> memref<112xi32, #tpu.memory_space<vmem>>
        %dma_start3A_46 = arith.constant 0 : i32
        %dma_start3A_47 = arith.constant 0 : i32
        %dma_start3A_48 = tpu.memref_slice %arg19[%dma_start3A_46, %dma_start3A_47] : memref<336x128xf32, #tpu.memory_space<vmem_shared>> -> memref<336x128xf32, #tpu.memory_space<vmem_shared>>
        tpu.enqueue_indirect_dma source(%dma_start3A_42 : memref<112x128xf32, #tpu.memory_space<vmem>>) target(%dma_start3A_48 : memref<336x128xf32, #tpu.memory_space<vmem_shared>>) offsets(%dma_start3A_45 : memref<112xi32, #tpu.memory_space<vmem>>) semaphore(%run_scoped3A_40 : memref<!tpu.dma_semaphore, #tpu.memory_space<semaphore_mem>>) {add = true}
        %dma_wait3A = arith.constant 112 : i32
        %dma_wait3A_49 = arith.constant 0 : i32
        %dma_wait3A_50 = tpu.memref_slice %arg14[%dma_wait3A, %dma_wait3A_49] : memref<336x128xf32, #tpu.memory_space<vmem>> -> memref<112x128xf32, #tpu.memory_space<vmem>>
        %dma_wait3A_51 = arith.constant 0 : i32
        %dma_wait3A_52 = tpu.memref_slice %arg18[%run_scoped3A_38, %dma_wait3A_51] : memref<3x112xi32, #tpu.memory_space<vmem>> -> memref<1x112xi32, #tpu.memory_space<vmem>>
        %dma_wait3A_53 = tpu.memref_squeeze %dma_wait3A_52 : memref<1x112xi32, #tpu.memory_space<vmem>> -> memref<112xi32, #tpu.memory_space<vmem>>
        %dma_wait3A_54 = arith.constant 0 : i32
        %dma_wait3A_55 = arith.constant 0 : i32
        %dma_wait3A_56 = tpu.memref_slice %arg19[%dma_wait3A_54, %dma_wait3A_55] : memref<336x128xf32, #tpu.memory_space<vmem_shared>> -> memref<336x128xf32, #tpu.memory_space<vmem_shared>>
        tpu.wait_indirect_dma semaphore(%run_scoped3A_40 : memref<!tpu.dma_semaphore, #tpu.memory_space<semaphore_mem>>) src(%dma_wait3A_50 : memref<112x128xf32, #tpu.memory_space<vmem>>) dst(%dma_wait3A_56 : memref<336x128xf32, #tpu.memory_space<vmem_shared>>)
        tpu.yield
      }) : () -> ()
      %run_scoped3A_39 = arith.constant 2 : i32
      "tpu.region"() ({
        %run_scoped3A_40 = tpu.sem_alloc : memref<!tpu.dma_semaphore, #tpu.memory_space<semaphore_mem>>
        %dma_start3A = arith.constant 224 : i32
        %dma_start3A_41 = arith.constant 0 : i32
        %dma_start3A_42 = tpu.memref_slice %arg14[%dma_start3A, %dma_start3A_41] : memref<336x128xf32, #tpu.memory_space<vmem>> -> memref<112x128xf32, #tpu.memory_space<vmem>>
        %dma_start3A_43 = arith.constant 0 : i32
        %dma_start3A_44 = tpu.memref_slice %arg18[%run_scoped3A_39, %dma_start3A_43] : memref<3x112xi32, #tpu.memory_space<vmem>> -> memref<1x112xi32, #tpu.memory_space<vmem>>
        %dma_start3A_45 = tpu.memref_squeeze %dma_start3A_44 : memref<1x112xi32, #tpu.memory_space<vmem>> -> memref<112xi32, #tpu.memory_space<vmem>>
        %dma_start3A_46 = arith.constant 0 : i32
        %dma_start3A_47 = arith.constant 0 : i32
        %dma_start3A_48 = tpu.memref_slice %arg19[%dma_start3A_46, %dma_start3A_47] : memref<336x128xf32, #tpu.memory_space<vmem_shared>> -> memref<336x128xf32, #tpu.memory_space<vmem_shared>>
        tpu.enqueue_indirect_dma source(%dma_start3A_42 : memref<112x128xf32, #tpu.memory_space<vmem>>) target(%dma_start3A_48 : memref<336x128xf32, #tpu.memory_space<vmem_shared>>) offsets(%dma_start3A_45 : memref<112xi32, #tpu.memory_space<vmem>>) semaphore(%run_scoped3A_40 : memref<!tpu.dma_semaphore, #tpu.memory_space<semaphore_mem>>) {add = true}
        %dma_wait3A = arith.constant 224 : i32
        %dma_wait3A_49 = arith.constant 0 : i32
        %dma_wait3A_50 = tpu.memref_slice %arg14[%dma_wait3A, %dma_wait3A_49] : memref<336x128xf32, #tpu.memory_space<vmem>> -> memref<112x128xf32, #tpu.memory_space<vmem>>
        %dma_wait3A_51 = arith.constant 0 : i32
        %dma_wait3A_52 = tpu.memref_slice %arg18[%run_scoped3A_39, %dma_wait3A_51] : memref<3x112xi32, #tpu.memory_space<vmem>> -> memref<1x112xi32, #tpu.memory_space<vmem>>
        %dma_wait3A_53 = tpu.memref_squeeze %dma_wait3A_52 : memref<1x112xi32, #tpu.memory_space<vmem>> -> memref<112xi32, #tpu.memory_space<vmem>>
        %dma_wait3A_54 = arith.constant 0 : i32
        %dma_wait3A_55 = arith.constant 0 : i32
        %dma_wait3A_56 = tpu.memref_slice %arg19[%dma_wait3A_54, %dma_wait3A_55] : memref<336x128xf32, #tpu.memory_space<vmem_shared>> -> memref<336x128xf32, #tpu.memory_space<vmem_shared>>
        tpu.wait_indirect_dma semaphore(%run_scoped3A_40 : memref<!tpu.dma_semaphore, #tpu.memory_space<semaphore_mem>>) src(%dma_wait3A_50 : memref<112x128xf32, #tpu.memory_space<vmem>>) dst(%dma_wait3A_56 : memref<336x128xf32, #tpu.memory_space<vmem_shared>>)
        tpu.yield
      }) : () -> ()
    } else {
    }
    %barrier3A_32 = arith.constant 0 : index
    tpu.barrier barrier_id(%barrier3A_32)
    %eq3A_33 = arith.constant 0 : i32
    %eq3A_34 = arith.cmpi eq, %arg1, %eq3A_33 : i32
    %convert_element_type3A_35 = arith.extui %eq3A_34 : i1 to i32
    %cond3A_36 = arith.constant 0 : i32
    %cond3A_37 = arith.cmpi ne, %convert_element_type3A_35, %cond3A_36 : i32
    scf.if %cond3A_37 {
      %add3A_38 = arith.constant 0 : i32
      %add3A_39 = arith.addi %add3A_38, %arg0 : i32
      "tpu.region"() ({
        %run_scoped3A = tpu.sem_alloc : memref<!tpu.dma_semaphore, #tpu.memory_space<semaphore_mem>>
        %dma_start3A = arith.constant 0 : i32
        %dma_start3A_42 = arith.constant 0 : i32
        %dma_start3A_43 = tpu.memref_slice %arg10[%add3A_39, %dma_start3A, %dma_start3A_42] : memref<4x168x128xf32, #tpu.memory_space<hbm>> -> memref<1x168x128xf32, #tpu.memory_space<hbm>>
        %dma_start3A_44 = tpu.memref_squeeze %dma_start3A_43 : memref<1x168x128xf32, #tpu.memory_space<hbm>> -> memref<168x128xf32, #tpu.memory_space<hbm>>
        %dma_start3A_45 = arith.constant 0 : i32
        %dma_start3A_46 = arith.constant 0 : i32
        %dma_start3A_47 = tpu.memref_slice %arg19[%dma_start3A_45, %dma_start3A_46] : memref<336x128xf32, #tpu.memory_space<vmem_shared>> -> memref<168x128xf32, #tpu.memory_space<vmem_shared>>
        tpu.enqueue_dma source(%dma_start3A_47 : memref<168x128xf32, #tpu.memory_space<vmem_shared>>) target(%dma_start3A_44 : memref<168x128xf32, #tpu.memory_space<hbm>>) target_semaphore(%run_scoped3A : memref<!tpu.dma_semaphore, #tpu.memory_space<semaphore_mem>>)
        %dma_wait3A = arith.constant 0 : i32
        %dma_wait3A_48 = arith.constant 0 : i32
        %dma_wait3A_49 = tpu.memref_slice %arg10[%add3A_39, %dma_wait3A, %dma_wait3A_48] : memref<4x168x128xf32, #tpu.memory_space<hbm>> -> memref<1x168x128xf32, #tpu.memory_space<hbm>>
        %dma_wait3A_50 = tpu.memref_squeeze %dma_wait3A_49 : memref<1x168x128xf32, #tpu.memory_space<hbm>> -> memref<168x128xf32, #tpu.memory_space<hbm>>
        %dma_wait3A_51 = arith.constant 0 : i32
        %dma_wait3A_52 = arith.constant 0 : i32
        %dma_wait3A_53 = tpu.memref_slice %arg19[%dma_wait3A_51, %dma_wait3A_52] : memref<336x128xf32, #tpu.memory_space<vmem_shared>> -> memref<168x128xf32, #tpu.memory_space<vmem_shared>>
        tpu.wait_dma2 semaphore(%run_scoped3A : memref<!tpu.dma_semaphore, #tpu.memory_space<semaphore_mem>>) src(%dma_wait3A_53 : memref<168x128xf32, #tpu.memory_space<vmem_shared>>) dst(%dma_wait3A_50 : memref<168x128xf32, #tpu.memory_space<hbm>>)
        tpu.yield
      }) : () -> ()
      %add3A_40 = arith.constant 2 : i32
      %add3A_41 = arith.addi %add3A_40, %arg0 : i32
      "tpu.region"() ({
        %run_scoped3A = tpu.sem_alloc : memref<!tpu.dma_semaphore, #tpu.memory_space<semaphore_mem>>
        %dma_start3A = arith.constant 0 : i32
        %dma_start3A_42 = arith.constant 0 : i32
        %dma_start3A_43 = tpu.memref_slice %arg10[%add3A_41, %dma_start3A, %dma_start3A_42] : memref<4x168x128xf32, #tpu.memory_space<hbm>> -> memref<1x168x128xf32, #tpu.memory_space<hbm>>
        %dma_start3A_44 = tpu.memref_squeeze %dma_start3A_43 : memref<1x168x128xf32, #tpu.memory_space<hbm>> -> memref<168x128xf32, #tpu.memory_space<hbm>>
        %dma_start3A_45 = arith.constant 168 : i32
        %dma_start3A_46 = arith.constant 0 : i32
        %dma_start3A_47 = tpu.memref_slice %arg19[%dma_start3A_45, %dma_start3A_46] : memref<336x128xf32, #tpu.memory_space<vmem_shared>> -> memref<168x128xf32, #tpu.memory_space<vmem_shared>>
        tpu.enqueue_dma source(%dma_start3A_47 : memref<168x128xf32, #tpu.memory_space<vmem_shared>>) target(%dma_start3A_44 : memref<168x128xf32, #tpu.memory_space<hbm>>) target_semaphore(%run_scoped3A : memref<!tpu.dma_semaphore, #tpu.memory_space<semaphore_mem>>)
        %dma_wait3A = arith.constant 0 : i32
        %dma_wait3A_48 = arith.constant 0 : i32
        %dma_wait3A_49 = tpu.memref_slice %arg10[%add3A_41, %dma_wait3A, %dma_wait3A_48] : memref<4x168x128xf32, #tpu.memory_space<hbm>> -> memref<1x168x128xf32, #tpu.memory_space<hbm>>
        %dma_wait3A_50 = tpu.memref_squeeze %dma_wait3A_49 : memref<1x168x128xf32, #tpu.memory_space<hbm>> -> memref<168x128xf32, #tpu.memory_space<hbm>>
        %dma_wait3A_51 = arith.constant 168 : i32
        %dma_wait3A_52 = arith.constant 0 : i32
        %dma_wait3A_53 = tpu.memref_slice %arg19[%dma_wait3A_51, %dma_wait3A_52] : memref<336x128xf32, #tpu.memory_space<vmem_shared>> -> memref<168x128xf32, #tpu.memory_space<vmem_shared>>
        tpu.wait_dma2 semaphore(%run_scoped3A : memref<!tpu.dma_semaphore, #tpu.memory_space<semaphore_mem>>) src(%dma_wait3A_53 : memref<168x128xf32, #tpu.memory_space<vmem_shared>>) dst(%dma_wait3A_50 : memref<168x128xf32, #tpu.memory_space<hbm>>)
        tpu.yield
      }) : () -> ()
    } else {
    }
    return
  }
}

module attributes {stable_mosaic.version = 14 : i64} {
  func.func @_tc_body(%arg0: i32, %arg1: i32, %arg2: memref<1x1024x8xf32, #tpu.memory_space<vmem>>, %arg3: memref<1x8x6912xf32, #tpu.memory_space<vmem>>, %arg4: memref<1x16x6912xf32, #tpu.memory_space<vmem>>, %arg5: memref<1x2x1xf32, #tpu.memory_space<smem>>) attributes {dimension_semantics = [#tpu.dimension_semantics<arbitrary>, #tpu.dimension_semantics<arbitrary>], iteration_bounds = array<i64: 2, 8>, scalar_prefetch = 0 : i64, scratch_operands = 0 : i64, tpu.core_type = #tpu.core_type<tc>, window_params = [{transform_indices = @transform_0, window_bounds = array<i64: 1, 1024, 8>}, {transform_indices = @transform_1, window_bounds = array<i64: 1, 8, 6912>}, {transform_indices = @transform_2, window_bounds = array<i64: 1, 16, 6912>}, {transform_indices = @transform_3, window_bounds = array<i64: 1, 2, 1>}]} {
    %get3A = arith.constant 0 : index
    %get3A_0 = arith.constant 0 : index
    %get3A_1 = arith.constant 0 : index
    %get3A_2 = vector.load %arg3[%get3A, %get3A_0, %get3A_1] : memref<1x8x6912xf32, #tpu.memory_space<vmem>>, vector<1x3x6912xf32>
    %get3A_3 = vector.shape_cast %get3A_2 : vector<1x3x6912xf32> to vector<3x6912xf32>
    %get3A_4 = arith.constant 0 : index
    %get3A_5 = arith.constant 0 : index
    %get3A_6 = arith.constant 0 : index
    %get3A_7 = vector.load %arg4[%get3A_4, %get3A_5, %get3A_6] : memref<1x16x6912xf32, #tpu.memory_space<vmem>>, vector<1x16x6912xf32>
    %get3A_8 = vector.shape_cast %get3A_7 : vector<1x16x6912xf32> to vector<16x6912xf32>
    %slice3A = vector.extract_strided_slice %get3A_8 {offsets = [0, 0], sizes = [3, 6912], strides = [1, 1]} : vector<16x6912xf32> to vector<3x6912xf32>
    %slice3A_9 = vector.extract_strided_slice %get3A_8 {offsets = [8, 0], sizes = [3, 6912], strides = [1, 1]} : vector<16x6912xf32> to vector<3x6912xf32>
    %add3A = arith.addf %slice3A, %slice3A_9 : vector<3x6912xf32>
    %get3A_10 = arith.constant 0 : index
    %get3A_11 = arith.constant 0 : index
    %get3A_12 = arith.constant 0 : index
    %get3A_13 = vector.load %arg2[%get3A_10, %get3A_11, %get3A_12] : memref<1x1024x8xf32, #tpu.memory_space<vmem>>, vector<1x1024x8xf32>
    %get3A_14 = vector.shape_cast %get3A_13 : vector<1x1024x8xf32> to vector<1024x8xf32>
    %slice3A_15 = vector.extract_strided_slice %get3A_14 {offsets = [0, 0], sizes = [1024, 1], strides = [1, 1]} : vector<1024x8xf32> to vector<1024x1xf32>
    %slice3A_16 = vector.extract_strided_slice %get3A_3 {offsets = [0, 0], sizes = [1, 6912], strides = [1, 1]} : vector<3x6912xf32> to vector<1x6912xf32>
    %sub3A = vector.broadcast %slice3A_15 : vector<1024x1xf32> to vector<1024x6912xf32>
    %sub3A_17 = vector.broadcast %slice3A_16 : vector<1x6912xf32> to vector<1024x6912xf32>
    %sub3A_18 = arith.subf %sub3A, %sub3A_17 : vector<1024x6912xf32>
    %slice3A_19 = vector.extract_strided_slice %get3A_14 {offsets = [0, 1], sizes = [1024, 1], strides = [1, 1]} : vector<1024x8xf32> to vector<1024x1xf32>
    %slice3A_20 = vector.extract_strided_slice %get3A_3 {offsets = [1, 0], sizes = [1, 6912], strides = [1, 1]} : vector<3x6912xf32> to vector<1x6912xf32>
    %sub3A_21 = vector.broadcast %slice3A_19 : vector<1024x1xf32> to vector<1024x6912xf32>
    %sub3A_22 = vector.broadcast %slice3A_20 : vector<1x6912xf32> to vector<1024x6912xf32>
    %sub3A_23 = arith.subf %sub3A_21, %sub3A_22 : vector<1024x6912xf32>
    %slice3A_24 = vector.extract_strided_slice %get3A_14 {offsets = [0, 2], sizes = [1024, 1], strides = [1, 1]} : vector<1024x8xf32> to vector<1024x1xf32>
    %slice3A_25 = vector.extract_strided_slice %get3A_3 {offsets = [2, 0], sizes = [1, 6912], strides = [1, 1]} : vector<3x6912xf32> to vector<1x6912xf32>
    %sub3A_26 = vector.broadcast %slice3A_24 : vector<1024x1xf32> to vector<1024x6912xf32>
    %sub3A_27 = vector.broadcast %slice3A_25 : vector<1x6912xf32> to vector<1024x6912xf32>
    %sub3A_28 = arith.subf %sub3A_26, %sub3A_27 : vector<1024x6912xf32>
    %mul3A = arith.mulf %sub3A_18, %sub3A_18 : vector<1024x6912xf32>
    %mul3A_29 = arith.mulf %sub3A_23, %sub3A_23 : vector<1024x6912xf32>
    %add3A_30 = arith.addf %mul3A, %mul3A_29 : vector<1024x6912xf32>
    %mul3A_31 = arith.mulf %sub3A_28, %sub3A_28 : vector<1024x6912xf32>
    %add3A_32 = arith.addf %add3A_30, %mul3A_31 : vector<1024x6912xf32>
    %reduce_min3A = arith.constant dense<0x7F800000> : vector<1024xf32>
    %reduce_min3A_33 = vector.multi_reduction <minimumf>, %add3A_32, %reduce_min3A [1] : vector<1024x6912xf32> to vector<1024xf32>
    %broadcast_in_dim3A = vector.shape_cast %reduce_min3A_33 : vector<1024xf32> to vector<1024x1xf32>
    %eq3A = vector.broadcast %broadcast_in_dim3A : vector<1024x1xf32> to vector<1024x6912xf32>
    %eq3A_34 = arith.cmpf oeq, %add3A_32, %eq3A : vector<1024x6912xf32>
    %jit3A = arith.constant 1.000000e+00 : f32
    %jit3A_35 = arith.constant 0.000000e+00 : f32
    %broadcast_in_dim3A_36 = vector.broadcast %jit3A : f32 to vector<1024x6912xf32>
    %broadcast_in_dim3A_37 = vector.broadcast %jit3A_35 : f32 to vector<1024x6912xf32>
    %select_n3A = arith.select %eq3A_34, %broadcast_in_dim3A_36, %broadcast_in_dim3A_37 : vector<1024x6912xi1>, vector<1024x6912xf32>
    %concatenate3A = tpu.concatenate %get3A_3, %add3A in 0 : vector<3x6912xf32>, vector<3x6912xf32> -> vector<6x6912xf32>
    %dot_general3A = arith.constant dense<0.000000e+00> : vector<1024x6xf32>
    %dot_general3A_38 = tpu.matmul %select_n3A, %concatenate3A, %dot_general3A {dimension_numbers = #tpu.dot_dimension_numbers<[1], [1], [0], [0], [0, 0, 1, 0], [], []>, transpose_lhs_hint = false} : vector<1024x6912xf32>, vector<6x6912xf32>, vector<1024x6xf32> -> vector<1024x6xf32>
    %slice3A_39 = vector.extract_strided_slice %get3A_14 {offsets = [0, 0], sizes = [1024, 3], strides = [1, 1]} : vector<1024x8xf32> to vector<1024x3xf32>
    %slice3A_40 = vector.extract_strided_slice %dot_general3A_38 {offsets = [0, 0], sizes = [1024, 3], strides = [1, 1]} : vector<1024x6xf32> to vector<1024x3xf32>
    %sub3A_41 = arith.subf %slice3A_39, %slice3A_40 : vector<1024x3xf32>
    %slice3A_42 = vector.extract_strided_slice %dot_general3A_38 {offsets = [0, 3], sizes = [1024, 3], strides = [1, 1]} : vector<1024x6xf32> to vector<1024x3xf32>
    %mul3A_43 = arith.mulf %sub3A_41, %slice3A_42 : vector<1024x3xf32>
    %reduce_sum3A = arith.constant dense<0.000000e+00> : vector<1024xf32>
    %reduce_sum3A_44 = vector.multi_reduction <add>, %mul3A_43, %reduce_sum3A [1] : vector<1024x3xf32> to vector<1024xf32>
    %broadcast_in_dim3A_45 = vector.shape_cast %reduce_sum3A_44 : vector<1024xf32> to vector<1024x1xf32>
    %add3A_46 = arith.constant 9.99999968E-21 : f32
    %add3A_47 = vector.broadcast %add3A_46 : f32 to vector<1024x1xf32>
    %add3A_48 = arith.addf %broadcast_in_dim3A, %add3A_47 : vector<1024x1xf32>
    %sqrt3A = math.sqrt %add3A_48 : vector<1024x1xf32>
    %le3A = arith.constant 5.000000e-01 : f32
    %le3A_49 = vector.broadcast %le3A : f32 to vector<1024x1xf32>
    %le3A_50 = arith.cmpf ole, %sqrt3A, %le3A_49 : vector<1024x1xf32>
    %lt3A = arith.constant 0.000000e+00 : f32
    %lt3A_51 = vector.broadcast %lt3A : f32 to vector<1024x1xf32>
    %lt3A_52 = arith.cmpf olt, %broadcast_in_dim3A_45, %lt3A_51 : vector<1024x1xf32>
    %and3A = arith.andi %le3A_50, %lt3A_52 : vector<1024x1xi1>
    %jit3A_53 = arith.constant 1.000000e+00 : f32
    %jit3A_54 = arith.constant 0.000000e+00 : f32
    %broadcast_in_dim3A_55 = vector.broadcast %jit3A_53 : f32 to vector<1024x1xf32>
    %broadcast_in_dim3A_56 = vector.broadcast %jit3A_54 : f32 to vector<1024x1xf32>
    %select_n3A_57 = arith.select %and3A, %broadcast_in_dim3A_55, %broadcast_in_dim3A_56 : vector<1024x1xi1>, vector<1024x1xf32>
    %reduce_sum3A_58 = vector.shape_cast %select_n3A_57 : vector<1024x1xf32> to vector<1x1024x1xf32>
    %reduce_sum3A_59 = arith.constant dense<0.000000e+00> : vector<1xf32>
    %reduce_sum3A_60 = vector.multi_reduction <add>, %reduce_sum3A_58, %reduce_sum3A_59 [1, 2] : vector<1x1024x1xf32> to vector<1xf32>
    %reduce_sum3A_61 = vector.shape_cast %reduce_sum3A_60 : vector<1xf32> to vector<1x1x1xf32>
    %reduce_sum3A_62 = vector.extract %reduce_sum3A_61[0, 0, 0] : f32 from vector<1x1x1xf32>
    %eq3A_63 = arith.constant 0 : i32
    %eq3A_64 = arith.cmpi eq, %arg1, %eq3A_63 : i32
    %convert_element_type3A = arith.extui %eq3A_64 : i1 to i32
    %cond3A = arith.constant 0 : i32
    %cond3A_65 = arith.cmpi ne, %convert_element_type3A, %cond3A : i32
    scf.if %cond3A_65 {
      %swap3A = arith.constant 0.000000e+00 : f32
      %swap3A_75 = arith.constant 0 : index
      %swap3A_76 = arith.constant 0 : index
      %swap3A_77 = arith.constant 0 : index
      %swap3A_78 = memref.load %arg5[%swap3A_75, %swap3A_76, %swap3A_77] : memref<1x2x1xf32, #tpu.memory_space<smem>>
      memref.store %swap3A, %arg5[%swap3A_75, %swap3A_76, %swap3A_77] : memref<1x2x1xf32, #tpu.memory_space<smem>>
      %swap3A_79 = arith.constant 0.000000e+00 : f32
      %swap3A_80 = arith.constant 0 : index
      %swap3A_81 = arith.constant 1 : index
      %swap3A_82 = arith.constant 0 : index
      %swap3A_83 = memref.load %arg5[%swap3A_80, %swap3A_81, %swap3A_82] : memref<1x2x1xf32, #tpu.memory_space<smem>>
      memref.store %swap3A_79, %arg5[%swap3A_80, %swap3A_81, %swap3A_82] : memref<1x2x1xf32, #tpu.memory_space<smem>>
    } else {
    }
    %lt3A_66 = arith.constant 4 : i32
    %lt3A_67 = arith.cmpi slt, %arg1, %lt3A_66 : i32
    %convert_element_type3A_68 = arith.extui %lt3A_67 : i1 to i32
    %cond3A_69 = arith.constant 0 : i32
    %cond3A_70 = arith.cmpi ne, %convert_element_type3A_68, %cond3A_69 : i32
    scf.if %cond3A_70 {
      %get3A_75 = arith.constant 0 : index
      %get3A_76 = arith.constant 0 : index
      %get3A_77 = arith.constant 0 : index
      %get3A_78 = memref.load %arg5[%get3A_75, %get3A_76, %get3A_77] : memref<1x2x1xf32, #tpu.memory_space<smem>>
      %add3A_79 = arith.addf %get3A_78, %reduce_sum3A_62 : f32
      %swap3A = arith.constant 0 : index
      %swap3A_80 = arith.constant 0 : index
      %swap3A_81 = arith.constant 0 : index
      %swap3A_82 = memref.load %arg5[%swap3A, %swap3A_80, %swap3A_81] : memref<1x2x1xf32, #tpu.memory_space<smem>>
      memref.store %add3A_79, %arg5[%swap3A, %swap3A_80, %swap3A_81] : memref<1x2x1xf32, #tpu.memory_space<smem>>
    } else {
    }
    %ge3A = arith.constant 4 : i32
    %ge3A_71 = arith.cmpi sge, %arg1, %ge3A : i32
    %convert_element_type3A_72 = arith.extui %ge3A_71 : i1 to i32
    %cond3A_73 = arith.constant 0 : i32
    %cond3A_74 = arith.cmpi ne, %convert_element_type3A_72, %cond3A_73 : i32
    scf.if %cond3A_74 {
      %get3A_75 = arith.constant 0 : index
      %get3A_76 = arith.constant 1 : index
      %get3A_77 = arith.constant 0 : index
      %get3A_78 = memref.load %arg5[%get3A_75, %get3A_76, %get3A_77] : memref<1x2x1xf32, #tpu.memory_space<smem>>
      %add3A_79 = arith.addf %get3A_78, %reduce_sum3A_62 : f32
      %swap3A = arith.constant 0 : index
      %swap3A_80 = arith.constant 1 : index
      %swap3A_81 = arith.constant 0 : index
      %swap3A_82 = memref.load %arg5[%swap3A, %swap3A_80, %swap3A_81] : memref<1x2x1xf32, #tpu.memory_space<smem>>
      memref.store %add3A_79, %arg5[%swap3A, %swap3A_80, %swap3A_81] : memref<1x2x1xf32, #tpu.memory_space<smem>>
    } else {
    }
    return
  }
  func.func @transform_0(%arg0: i32, %arg1: i32) -> (i32, i32, i32) {
    %c0_i32 = arith.constant 0 : i32
    %c0_i32_0 = arith.constant 0 : i32
    return %arg0, %arg1, %c0_i32 : i32, i32, i32
  }
  func.func @transform_1(%arg0: i32, %arg1: i32) -> (i32, i32, i32) {
    %c0_i32 = arith.constant 0 : i32
    %c0_i32_0 = arith.constant 0 : i32
    %c0_i32_1 = arith.constant 0 : i32
    return %arg0, %c0_i32, %c0_i32_0 : i32, i32, i32
  }
  func.func @transform_2(%arg0: i32, %arg1: i32) -> (i32, i32, i32) {
    %c0_i32 = arith.constant 0 : i32
    %c0_i32_0 = arith.constant 0 : i32
    %c0_i32_1 = arith.constant 0 : i32
    return %arg0, %c0_i32, %c0_i32_0 : i32, i32, i32
  }
  func.func @transform_3(%arg0: i32, %arg1: i32) -> (i32, i32, i32) {
    %c0_i32 = arith.constant 0 : i32
    %c0_i32_0 = arith.constant 0 : i32
    %c0_i32_1 = arith.constant 0 : i32
    return %arg0, %c0_i32, %c0_i32_0 : i32, i32, i32
  }
}

</mosaic_0001>

<sc_bundles>
// kernel: kernel.4.cloned.1.call-start
scs
__scs_entry_jumppad:
0x0: {  	(pc) =	sbr.rel $0x88, $3  }
0x1: {  	(tag) =	ssettag $0x0;
	lr =	simm.s32 $0x1  }
0x2: {  	[smem:$0x3F9C] =	sst lr;
	_ =	strace $0xD0000000  }
0x3: {  	_ = 	snop  }
0x4: {  	_ = 	snop  }
0x5: {  	_ = 	snop  }
0x6: {  	_ = 	snop  }
0x7: {  	_ = 	snop  }
__scs_overlays_trampoline_lowered:
0x8: {  	[smem:$0x3FAB] =	sst s0  }
0x9: {  	[smem:$0x3FAC] =	sst s1  }
0xa: {  	[smem:$0x3FAD] =	sst s2  }
0xb: {  	[smem:$0x3FAE] =	sst s3  }
0xc: {  	[smem:$0x3FAF] =	sst s4  }
0xd: {  	[smem:$0x3FB0] =	sst s5  }
0xe: {  	[smem:$0x3FB1] =	sst s6  }
0xf: {  	[smem:$0x3FB2] =	sst s7  }
0x10: {  	[smem:$0x3FB3] =	sst s8  }
0x11: {  	[smem:$0x3FB4] =	sst s9;
	s0 =	simm.s32 @!p0 $0x0  }
0x12: {  	s1 =	sld [smem:$0x3F9A];
	s0 =	simm.s32 @p0 $0x1  }
0x13: {  	[smem:$0x3FB5] =	sst s0;
	s0 =	simm.s32 @!p1 $0x0  }
0x14: {  	s2 =	sld [smem:$0x3F99];
	s0 =	simm.s32 @p1 $0x1  }
0x15: {  	[smem:$0x3FB6] =	sst s0;
	s0 =	simm.s32 @!p2 $0x0  }
0x16: {  	s3 =	sld [smem:$0x3FDB];
	s0 =	simm.s32 @p2 $0x1  }
0x17: {  	s4 =	simm.s32 $0x1BF5;
	[smem:$0x3FB8] =	sst s0  }
0x18: {  	s0 =	sld [smem:$0x3F9B];
	_ =	swait.ge [sflag:s4], $0x0  }
0x19: {  	s7 =	sld [smem:$0x3F9C]  }
0x1a: {  	s8 =	sadd.s32 $0xFFFFE003, lr  }
0x1b: {  	s9 =	sadd.s32 $0xFFFFFEF7, lr;
	s5 =	simm.s32 $0xFFFFFFFF;
	p2 =	slt.u32 s8, $0xFFFFF086  }
0x1c: {  	p1 =	slt.u32 s9, $0xF7A;
	s5 =	simm.s32 @!p2 $0x0  }
0x1d: {  	s5 =	simm.s32 @p1 $0x1;
	p0 =	seq.s32 s7, s2  }
0x1e: {  	s7 =	smul.u32 @!p0 $0xF7A, s2;
	p2 =	seq.s32 @!p0 s5, $0x0  }
0x1f: {  	s9 =	smul.u32 $0xF7A, s1;
	s8 =	simm.s32 @!p0 $0x1BF5;
	p2 =	por !p2, p0  }
0x20: {  	[sflag:s8] =	ssyncset.s32 @!p0 $0xFFFFF086;
	s6 =	sadd.s32 @!p0 s3, s7;
	s7 =	simm.s32 @!p0 $0x108  }
0x21: {  	s3 =	sadd.s32 s3, s9;
	s6 =	sadd.s32 @!p0 $0x88, s6;
	s7 =	simm.s32 @p2 $0x1082  }
0x22: {  	[simem:s7], [sflag:s8] =	dma.local @!p0 [hbm:s6], $0xF7A  }
0x23: {  	s9 =	sor.u32 $0xD0000000, s2;
	s6 =	simm.s32 $0x108;
	_ =	swait.ge @!p0 [sflag:s8], $0x0  }
0x24: {  	s3 =	sadd.s32 $0x88, s3;
	s6 =	simm.s32 @!p1 $0x1082;
	[sflag:s4] =	ssyncset.s32 $0xFFFFF086  }
0x25: {  	[simem:s6], [sflag:s4] =	dma.local [hbm:s3], $0xF7A  }
0x26: {  	[smem:$0x3F9C] =	sst s1;
	(tag) =	ssettag s2;
	_ =	strace s9  }
0x27: {  	s1 =	sld [smem:$0x3FAC]  }
0x28: {  	s2 =	sld [smem:$0x3FAD]  }
0x29: {  	s4 =	sld [smem:$0x3FAF]  }
0x2a: {  	p0 =	seq.s32 s5, $0x0;
	s5 =	sld [smem:$0x3FB0]  }
0x2b: {  	s6 =	sld [smem:$0x3FB1]  }
0x2c: {  	s7 =	sld [smem:$0x3FB2]  }
0x2d: {  	s3 =	simm.s32 $0x108;
	s8 =	sld [smem:$0x3FB3]  }
0x2e: {  	s3 =	simm.s32 @!p0 $0x1082;
	s9 =	sld [smem:$0x3FB4]  }
0x2f: {  	lr =	sadd.s32 s0, s3;
	s0 =	sld [smem:$0x3FAB]  }
0x30: {  	s3 =	sld [smem:$0x3FAE]  }
0x31: {  	[smem:$0x3FB7] =	sst s10  }
0x32: {  	s10 =	sld [smem:$0x3FB5];
	_ =	sdelay $0x3  }
0x33: {  	p0 =	seq.s32 s10, $0x1;
	s10 =	sld [smem:$0x3FB7];
	_ =	sdelay $0x3  }
0x34: {  	[smem:$0x3FB7] =	sst s10  }
0x35: {  	s10 =	sld [smem:$0x3FB6];
	_ =	sdelay $0x3  }
0x36: {  	p1 =	seq.s32 s10, $0x1;
	s10 =	sld [smem:$0x3FB7];
	_ =	sdelay $0x3  }
0x37: {  	[smem:$0x3FB7] =	sst s10  }
0x38: {  	s10 =	sld [smem:$0x3FB8]  }
0x39: {  	_ = 	snop;
	(pc) =	sbr.ind lr, $3  }
0x3a: {  	_ = 	snop  }
0x3b: {  	_ = 	snop  }
0x3c: {  	p2 =	seq.s32 s10, $0x1;
	s10 =	sld [smem:$0x3FB7]  }
0x3d: {  	_ =	shalt  }
0x3e: {  	_ =	shalt  }
0x3f: {  	_ =	shalt  }
0x40: {  	_ =	shalt  }
0x41: {  	_ =	shalt  }
0x42: {  	_ =	shalt  }
0x43: {  	_ =	shalt  }
0x44: {  	_ =	shalt  }
0x45: {  	_ =	shalt  }
0x46: {  	_ =	shalt  }
0x47: {  	_ =	shalt  }
0x48: {  	_ =	shalt  }
0x49: {  	_ =	shalt  }
0x4a: {  	_ =	shalt  }
0x4b: {  	_ =	shalt  }
0x4c: {  	_ =	shalt  }
0x4d: {  	_ =	shalt  }
0x4e: {  	_ =	shalt  }
0x4f: {  	_ =	shalt  }
0x50: {  	_ =	shalt  }
0x51: {  	_ =	shalt  }
0x52: {  	_ =	shalt  }
0x53: {  	_ =	shalt  }
0x54: {  	_ =	shalt  }
0x55: {  	_ =	shalt  }
0x56: {  	_ =	shalt  }
0x57: {  	_ =	shalt  }
0x58: {  	_ =	shalt  }
0x59: {  	_ =	shalt  }
0x5a: {  	_ =	shalt  }
0x5b: {  	_ =	shalt  }
0x5c: {  	_ =	shalt  }
0x5d: {  	_ =	shalt  }
0x5e: {  	_ =	shalt  }
0x5f: {  	_ =	shalt  }
0x60: {  	_ =	shalt  }
0x61: {  	_ =	shalt  }
0x62: {  	_ =	shalt  }
0x63: {  	_ =	shalt  }
0x64: {  	_ =	shalt  }
0x65: {  	_ =	shalt  }
0x66: {  	_ =	shalt  }
0x67: {  	_ =	shalt  }
0x68: {  	_ =	shalt  }
0x69: {  	_ =	shalt  }
0x6a: {  	_ =	shalt  }
0x6b: {  	_ =	shalt  }
0x6c: {  	_ =	shalt  }
0x6d: {  	_ =	shalt  }
0x6e: {  	_ =	shalt  }
0x6f: {  	_ =	shalt  }
0x70: {  	_ =	shalt  }
0x71: {  	_ =	shalt  }
0x72: {  	_ =	shalt  }
0x73: {  	_ =	shalt  }
0x74: {  	_ =	shalt  }
0x75: {  	_ =	shalt  }
0x76: {  	_ =	shalt  }
0x77: {  	_ =	shalt  }
0x78: {  	_ =	shalt  }
0x79: {  	_ =	shalt  }
0x7a: {  	_ =	shalt  }
0x7b: {  	_ =	shalt  }
0x7c: {  	_ =	shalt  }
0x7d: {  	_ =	shalt  }
0x7e: {  	_ =	shalt  }
0x7f: {  	_ =	shalt  }
0x80: {  	_ =	shalt  }
0x81: {  	_ =	shalt  }
0x82: {  	_ =	shalt  }
0x83: {  	_ =	shalt  }
0x84: {  	_ =	shalt  }
0x85: {  	_ =	shalt  }
0x86: {  	_ =	shalt  }
0x87: {  	_ =	shalt  }
.Lfunc_end0:
.L_simem_size_0:
called_computation_lowered:
.L_overlay_start_0:
0x88: {  	s2 =	sld [smem:$0x3FD9]  }
0x89: {  	s3 =	sld [smem:$0x3FFE];
	_ =	sdelay $0x1  }
0x8a: {  	s1 =	srdreg.scid  }
0x8b: {  	s0 =	sand.u32 $0x1, s1  }
0x8c: {  	s16 =	sshll.u32 s0, $0xA;
	s2 =	sadd.s32 s3, s2  }
0x8d: {  	s2 =	sadd.s32 s2, s16  }
0x8e: {  	[smem:$0x3FC3] =	sst s2  }
0x8f: {  	_ = 	snop  }
0x90: {  	(tm) =	ssettm $0x1  }
0x91: {  	s17 =	sld [smem:$0x3FFB];
	_ =	sdelay $0x3  }
0x92: {  	_ =	strace s17  }
0x93: {  	s2 =	sld [smem:$0x3FFC];
	_ =	sdelay $0x3  }
0x94: {  	_ =	strace s2  }
0x95: {  	s2 =	sld [smem:$0x3FFD];
	_ =	sdelay $0x3  }
0x96: {  	_ =	strace s2  }
0x97: {  	_ =	strace $0x8FFFFFFF  }
0x98: {  	s18 =	sld [smem:$0x3FDB];
	_ =	sdelay $0x1  }
0x99: {  	s19 =	simm.s32 $_scs_section_size  }
0x9a: {  	s4 =	simm.s32 $_size__tile_overlayer_lowered;
	s5 =	simm.s32 $_tile_overlayer_lowered  }
0x9b: {  	s22 =	simm.s32 $0x1BFF;
	s21 =	sshll.u32 s5, $0x1;
	s2 =	sadd.s32 s19, s18  }
0x9c: {  	s6 =	simm.s32 $0x0;
	s20 =	sshll.u32 s4, $0x1;
	s4 =	sadd.s32 s21, s2  }
0x9d: {  	[timem:s6], [sflag:s22] =	dma.local [hbm:s4], s20  }
0x9e: {  	_ =	swait.ge [sflag:s22], s20  }
0x9f: {  	s3 =	ssub.s32 $0x0, s20;
	[sflag:s22] =	ssyncset.done $0x0  }
0xa0: {  	[sflag:s22] =	ssyncadd.s32 s3;
	_ =	sdelay $0x1  }
0xa1: {  	s23 =	simm.s32 $0x1B8B  }
0xa2: {  	_ =	swait.ge [sflag:s23], $0x1  }
0xa3: {  	[sflag:s23] =	ssyncset.done $0x0  }
0xa4: {  	s25 =	simm.s32 $0x1B8E;
	s24 =	sld [smem:$0x3FFE];
	[sflag:s23] =	ssyncadd.s32 $0xFFFFFFFF  }
0xa5: {  	s26 =	simm.s32 $execute0_lowered;
	[smem:$0x3FD2] =	sst s25  }
0xa6: {  	s4 =	sshll.u32 s26, $0x1;
	_ =	strace $0x80000046;
	[dreg:$0x1] =	wrdreg $0xFFFFFFFF  }
0xa7: {  	s28 =	simm.s32 $_size_execute0_lowered;
	s2 =	sadd.s32 s2, s4;
	[dreg:$0x0] =	wrdreg $0x0  }
0xa8: {  	s4 =	sshll.u32 s28, $0x1;
	[dreg:$0x2] =	wrdreg s2  }
0xa9: {  	[dreg:$0x3] =	wrdreg s4  }
0xaa: {  	[dreg:$0x4] =	wrdreg $0xC0  }
0xab: {  	_ =	task [dreg:s6], $0x5FFFF  }
0xac: {  	[dreg:$0x1] =	wrdreg $0xFFFFFFFF  }
0xad: {  	[dreg:$0x0] =	wrdreg $0x60  }
0xae: {  	[dreg:$0x2] =	wrdreg s24  }
0xaf: {  	[dreg:$0x3] =	wrdreg $0x104000  }
0xb0: {  	[dreg:$0x4] =	wrdreg $0x9  }
0xb1: {  	_ =	task.clear_ibuf [dreg:s6], $0x5FFFF;
	_ =	strace $0x90000046  }
0xb2: {  	s29 =	simm.s32 $0x9;
	_ =	strace $0x80000048  }
0xb3: {  	_ =	swait.ge [sflag:s29], $0x1  }
0xb4: {  	[sflag:s29] =	ssyncadd.s32 $0xFFFFFFFF  }
0xb5: {  	_ =	strace $0x90000048  }
0xb6: {  	_ =	sfence  }
0xb7: {  	s30 =	sld [smem:$0x0];
	_ =	sdelay $0x2  }
0xb8: {  	s31 =	sshll.u32 s1, $0xD;
	s1 =	sshrl.u32 s1, $0x2  }
0xb9: {  	s3 =	sand.u32 $0x4000, s31;
	s1 =	sadd.s32 s1, s30  }
0xba: {  	s0 =	sor.u32 s3, s0;
	s1 =	sshll.u32 s1, $0x11  }
0xbb: {  	s0 =	sor.u32 s1, s0  }
0xbc: {  	s0 =	sadd.s32 $0x8F2B, s0  }
0xbd: {  	[sflag:s0] =	ssyncadd.remote.s32 $0x1  }
0xbe: {  	_ =	sfence.sel $0xFFFF  }
0xbf: {  	[dreg:$0x0] =	wrdreg $0xFFFFFFFF;
	(pc) =	sbr.abs _section_cstart, $3  }
0xc0: {  	[dreg:$0x1] =	wrdreg $0xFFFFFFFF  }
0xc1: {  	_ =	task.clear_ibuf [dreg:s6], $0x2FFFF;
	_ =	strace $0x9FFFFFFF  }
0xc2: {  	(tm) =	ssettm $0x7FFFFFFF  }
0xc3: {  	_ =	shalt  }
tec
execute0_lowered:
.L_overlay_start_1:
0x0: {  	(tag) =	ssettag $0x1  }
0x1: {  	s1 =	rddreg [dreg:$0x0]  }
0x2: {  	s2 =	rddreg [dreg:$0x1];
	s3 =	simm.s32 $0x0  }
0x3: {  	s0 =	srdreg.scid;
	s21 =	stileid.u32;
	s22 =	simm.s32 $0x1  }
0x4: {  	s23 =	simm.s32 $0x5400;
	s24 =	simm.s32 $0x1C00;
	s28 =	simm.s32 $0xFC00  }
0x5: {  	s29 =	simm.s32 $0xFE00;
	s30 =	simm.s32 $0x10000;
	s31 =	simm.s32 $0x0  }
0x6: {  	[smem:$0x7FF] =	sst s3;
	s0 =	sand.u32 $0x1, s0;
	s5 =	sadd.s32 $0x1200, s1  }
0x7: {  	s6 =	sadd.s32 $0xA00, s1;
	s7 =	sadd.s32 $0x200, s1;
	s15 =	sadd.s32 $0x1A00, s1  }
0x8: {  	s16 =	sadd.s32 $0x2800, s1;
	s17 =	sadd.s32 $0x3600, s1;
	s8 =	sadd.s32 $0x4400, s1  }
0x9: {  	s18 =	sadd.s32 $0x5A00, s1;
	s12 =	sadd.s32 $0x1580, s1;
	s13 =	sadd.s32 $0xD80, s1  }
0xa: {  	s14 =	sadd.s32 $0x580, s1;
	p0 =	seq.s32 s21, $0x0;
	_ =	strace $0x80000047  }
0xb: {  	s4 =	sshll.u32 s0, $0x4;
	s9 =	ssub.s32 $0x2, s0;
	s19 =	smul.u32 $0x5400, s0  }
0xc: {  	s0 =	smul.u32 $0xA80, s0;
	s4 =	sor.u32 s21, s4;
	s10 =	sshrl.u32 s9, $0x1  }
0xd: {  	s4 =	smul.u32 $0x1B0, s4;
	s20 =	ssub.s32 s9, s10;
	s19 =	sshrl.u32 s19, $0x3  }
0xe: {  	s26 =	sadd.s32 s18, s19;
	s18 =	sadd.s32 s18, s0;
	s0 =	sadd.s32 $0x5400, s2  }
0xf: {  	s20 =	smax.u32 s20, $0x1;
	s4 =	sshrl.u32 s4, $0x3;
	s19 =	sadd.s32 $0x1500, s26  }
0x10: {  	s25 =	sshrl.u32 @p0 s0, $0x3;
	s26 =	simm.s32 $0x3800;
	s9 =	sadd.s32 s15, s4  }
0x11: {  	s10 =	sadd.s32 s16, s4;
	s11 =	sadd.s32 s17, s4;
	s4 =	sadd.s32 $0x6C0, s4  }
0x12: {  	v0 =	vimm.s32 $0x0;
	s15 =	sadd.s32 s15, s4;
	s16 =	sadd.s32 s16, s4;
	s17 =	sadd.s32 s17, s4  }
.LBB2_1:
0x13: {  	s0 =	rddreg [dreg:$0x0];
	s1 =	simm.s32 $0x10200  }
0x14: {  	[tilespmem:s1], [sflag:$0x1] =	stream.linear.gather [hbm4b:s0+s3], $0x180, $0x38;
	[tilespmem:$0x10E80] =	vst v63  }
0x15: {  	_ =	swait.ge [sflag:s22], $0x180  }
0x16: {  	[sflag:s22] =	ssyncset.done $0x0  }
0x17: {  	[sflag:s22] =	ssyncadd.s32 $0xFFFFFE80  }
0x18: {  	[tilespmem:s23], [sflag:$0x1] =	stream.linear.gather [hbm4b:s8+s3], $0xA800, $0x38;
	[tilespmem:$0x10E80] =	vst v63  }
0x19: {  	_ =	swait.ge [sflag:s22], $0xA800  }
0x1a: {  	[sflag:s22] =	ssyncset.done $0x0  }
0x1b: {  	[sflag:s22] =	ssyncadd.s32 $0xFFFF5800  }
0x1c: {  	[tilespmem:s3], [sflag:$0x1] =	stream.linear.gather [hbm4b:s5+s3], $0x1C00, $0x38;
	[tilespmem:$0x10E80] =	vst v63  }
0x1d: {  	_ =	swait.ge [sflag:s22], $0x1C00  }
0x1e: {  	[sflag:s22] =	ssyncset.done $0x0  }
0x1f: {  	[sflag:s22] =	ssyncadd.s32 $0xFFFFE400  }
0x20: {  	[tilespmem:s24], [sflag:$0x1] =	stream.linear.gather [hbm4b:s6+s3], $0x1C00, $0x38;
	[tilespmem:$0x10E80] =	vst v63  }
0x21: {  	_ =	swait.ge [sflag:s22], $0x1C00  }
0x22: {  	[sflag:s22] =	ssyncset.done $0x0  }
0x23: {  	[sflag:s22] =	ssyncadd.s32 $0xFFFFE400  }
0x24: {  	[tilespmem:s26], [sflag:$0x1] =	stream.linear.gather [hbm4b:s7+s3], $0x1C00, $0x38;
	[tilespmem:$0x10E80] =	vst v63  }
0x25: {  	_ =	swait.ge [sflag:s22], $0x1C00  }
0x26: {  	[sflag:s22] =	ssyncset.done $0x0  }
0x27: {  	[sflag:s22] =	ssyncadd.s32 $0xFFFFE400  }
0x28: {  	[tilespmem:s28], [sflag:$0x1] =	stream.linear.gather [hbm4b:s9+s3], $0x1B0, $0x38;
	[tilespmem:$0x10E80] =	vst v63  }
0x29: {  	_ =	swait.ge [sflag:s22], $0x1B0  }
0x2a: {  	[sflag:s22] =	ssyncset.done $0x0  }
0x2b: {  	[sflag:s22] =	ssyncadd.s32 $0xFFFFFE50  }
0x2c: {  	[tilespmem:s29], [sflag:$0x1] =	stream.linear.gather [hbm4b:s10+s3], $0x1B0, $0x38;
	[tilespmem:$0x10E80] =	vst v63  }
0x2d: {  	_ =	swait.ge [sflag:s22], $0x1B0  }
0x2e: {  	[sflag:s22] =	ssyncset.done $0x0  }
0x2f: {  	[sflag:s22] =	ssyncadd.s32 $0xFFFFFE50  }
0x30: {  	[tilespmem:s30], [sflag:$0x1] =	stream.linear.gather [hbm4b:s11+s3], $0x1B0, $0x38;
	[tilespmem:$0x10E80] =	vst v63  }
0x31: {  	_ =	swait.ge [sflag:s22], $0x1B0  }
0x32: {  	[sflag:s22] =	ssyncset.done $0x0  }
0x33: {  	s21 =	simm.s32 $0x0;
	[sflag:s22] =	ssyncadd.s32 $0xFFFFFE50  }
0x34: {  	v4 =	vld [tilespmem:s21+$0xFE00]  }
0x35: {  	v3 =	vld [tilespmem:s21+$0x10000]  }
0x36: {  	v2 =	vld [tilespmem:s21+$0xFC00];
	_ =	sdelay $0x3  }
0x37: {  	v5 =	vshra.s32 v4, $0x1F;
	v1 =	vand.u32 $0x7F, v4;
	v7 =	vadd.s32 $0x1C00, v4  }
0x38: {  	v8 =	vshra.s32 v3, $0x1F;
	v10 =	vadd.s32 $0x1C00, v2;
	vm3 =	vlt.s32 v3, $0x1  }
0x39: {  	vm1 =	vlt.s32 v2, $0x1;
	v5 =	vshrl.u32 v5, $0x19;
	v6 =	vshra.s32 v7, $0x1F  }
0x3a: {  	v9 =	vadd.s32 v5, v4;
	v5 =	vshrl.u32 v6, $0x19;
	v6 =	vshra.s32 v2, $0x1F  }
0x3b: {  	vm5 =	vlt.s32 v4, $0x1;
	v11 =	vand.u32 $0xFFFFFF80, v9;
	v6 =	vshrl.u32 v6, $0x19  }
0x3c: {  	v8 =	vshrl.u32 v8, $0x19;
	vm0 =	vne.s32 v4, v11;
	v11 =	vadd.s32 v6, v2  }
0x3d: {  	v6 =	vshrl.u32 v9, $0x7;
	v9 =	vshra.s32 v10, $0x1F;
	v11 =	vshra.s32 v11, $0x7  }
0x3e: {  	v8 =	vadd.s32 v8, v3;
	v9 =	vshrl.u32 v9, $0x19;
	v12 =	vshll.u32 v11, $0x7  }
0x3f: {  	v5 =	vadd.s32 v5, v7;
	v62 =	vadd.s32 v9, v10;
	vm2 =	vne.s32 v2, v12  }
0x40: {  	v13 =	vand.u32 $0xFFFFFF80, v5;
	v63 =	vand.u32 $0xFFFFFF80, v62;
	vm4 =	vmand vm1, vm2  }
0x41: {  	vm1 =	vlt.s32 v7, $0x1;
	vm2 =	vne.s32 v7, v13;
	v7 =	vsel vm4, $0xFFFFFFFF, v0  }
0x42: {  	vm6 =	vne.s32 v10, v63;
	vm4 =	vlt.s32 v10, $0x1;
	v9 =	vadd.s32 v7, v11  }
0x43: {  	v11 =	vshrl.u32 v8, $0x7;
	v7 =	vand.u32 $0xFFFFFF80, v8;
	vm4 =	vmand vm4, vm6  }
0x44: {  	vm15 =	vne.s32 v3, v7;
	v7 =	vshrl.u32 v62, $0x7;
	v8 =	vsel vm4, $0xFFFFFFFF, v0  }
0x45: {  	vm0 =	vmand vm5, vm0;
	v10 =	vadd.s32 $0x1C00, v3;
	v7 =	vadd.s32 v8, v7  }
0x46: {  	s0 =	simm.s32 $0x40;
	vm3 =	vmand vm3, vm15;
	v8 =	vshll.u32 v7, $0x7;
	v7 =	vadd.s32 $0x3800, v4  }
.LBB2_2:
0x47: {  	p1 =	sne.s32 s0, $0x680;
	v12 =	vld.idx.msk [tilespmem:v3+s26+$0x0], $0xffff;
	v13 =	vsel vm3, $0xFFFFFFFF, v0;
	vm1 =	vmand vm1, vm2;
	v14 =	vshra.s32 v10, $0x1F;
	s4 =	smov.u32 s0;
	s0 =	sadd.s32 $0x40, s0  }
0x48: {  	v15 =	vld.idx.msk [tilespmem:v2+s24+$0x0], $0xffff;
	v11 =	vadd.s32 v13, v11;
	v13 =	vsel vm1, $0xFFFFFFFF, v0;
	v14 =	vshrl.u32 v14, $0x19  }
0x49: {  	v17 =	vshra.s32 v7, $0x1F;
	v16 =	vld.idx.msk [tilespmem:v2+s26+$0x0], $0xffff;
	v11 =	vshll.u32 v11, $0x7;
	v14 =	vadd.s32 v14, v10  }
0x4a: {  	v9 =	vshll.u32 v9, $0x7;
	v20 =	vadd.s32 $0x3800, v2;
	v18 =	vld.idx.msk [tilespmem:v4+s26+$0x0], $0xffff;
	v19 =	vand.u32 $0xFFFFFF80, v14  }
0x4b: {  	vm1 =	vlt.s32 v10, $0x1;
	v21 =	vld.idx.msk [tilespmem:v4+s24+$0x0], $0xffff;
	vm2 =	vne.s32 v10, v19;
	v10 =	vshra.s32 v20, $0x1F  }
0x4c: {  	v14 =	vshrl.u32 v14, $0x7;
	vm1 =	vmand vm1, vm2;
	v10 =	vshrl.u32 v10, $0x19  }
0x4d: {  	v17 =	vshrl.u32 v17, $0x19;
	v19 =	vsel vm1, $0xFFFFFFFF, v0;
	v10 =	vadd.s32 v10, v20  }
0x4e: {  	v17 =	vadd.s32 v17, v7;
	v22 =	vld.idx.msk [tilespmem:v2+s3+$0x0], $0xffff;
	v14 =	vadd.s32 v19, v14;
	v19 =	vand.u32 $0xFFFFFF80, v10  }
0x4f: {  	v23 =	vld.idx.msk [tilespmem:v3+s24+$0x0], $0xffff;
	v14 =	vshll.u32 v14, $0x7;
	vm1 =	vne.s32 v20, v19;
	v19 =	vand.u32 $0xFFFFFF80, v17  }
0x50: {  	v10 =	vshrl.u32 v10, $0x7;
	v18 =	vsub.f32 v18, v16;
	v4 =	vld.idx.msk [tilespmem:v4+s3+$0x0], $0xffff;
	vm2 =	vne.s32 v7, v19  }
0x51: {  	v12 =	vsub.f32 v12, v16;
	v16 =	vadd.s32 $0x3800, v3;
	v19 =	vsub.f32 v21, v15  }
0x52: {  	v24 =	vsel vm0, $0xFFFFFFFF, v0;
	v25 =	vshra.s32 v16, $0x1F;
	vm0 =	vlt.s32 v16, $0x1;
	v21 =	vld.idx.msk [tilespmem:v3+s3+$0x0], $0xffff  }
0x53: {  	v6 =	vadd.s32 v24, v6;
	v24 =	vshrl.u32 v25, $0x19;
	v26 =	vmul.f32 v12, v19  }
0x54: {  	v5 =	vshrl.u32 v5, $0x7;
	v3 =	vand.u32 $0x7F, v3;
	v24 =	vadd.s32 v24, v16  }
0x55: {  	v6 =	vshll.u32 v6, $0x7;
	v2 =	vand.u32 $0x7F, v2;
	v15 =	vsub.f32 v23, v15  }
0x56: {  	v9 =	vor.u32 v2, v9;
	v14 =	vor.u32 v3, v14;
	v4 =	vsub.f32 v4, v22  }
0x57: {  	v6 =	vor.u32 v1, v6;
	v11 =	vor.u32 v3, v11;
	v23 =	vmul.f32 v15, v18  }
0x58: {  	v21 =	vsub.f32 v21, v22;
	v12 =	vmul.f32 v12, v4;
	v4 =	vmul.f32 v15, v4  }
0x59: {  	v5 =	vadd.s32 v13, v5;
	v8 =	vor.u32 v2, v8;
	v15 =	vsub.f32 v26, v23  }
0x5a: {  	vm3 =	vlt.s32 v7, $0x1;
	v5 =	vshll.u32 v5, $0x7;
	v13 =	vmul.f32 v21, v18  }
0x5b: {  	vm4 =	vlt.s32 v20, $0x1;
	v5 =	vor.u32 v1, v5;
	vm2 =	vmand vm3, vm2;
	[tilespmem:v9+s23+$0x0] =	vst.idx.add.f32.msk $0xffff, v15  }
0x5c: {  	vm1 =	vmand vm4, vm1;
	v7 =	vsub.f32 v13, v12;
	[tilespmem:v6+s23+$0x0] =	vst.idx.add.f32.msk $0xffff, v15;
	v6 =	vshrl.u32 v17, $0x7  }
0x5d: {  	v9 =	vsel vm1, $0xFFFFFFFF, v0;
	v12 =	vand.u32 $0xFFFFFF80, v24;
	[tilespmem:v11+s23+$0x0] =	vst.idx.add.f32.msk $0xffff, v15;
	v11 =	vsel vm2, $0xFFFFFFFF, v0  }
0x5e: {  	v13 =	vmul.f32 v21, v19;
	vm1 =	vne.s32 v16, v12;
	v6 =	vadd.s32 v11, v6  }
0x5f: {  	vm0 =	vmand vm0, vm1;
	[tilespmem:v8+s23+$0x0] =	vst.idx.add.f32.msk $0xffff, v7;
	v8 =	vadd.s32 v9, v10;
	v6 =	vshll.u32 v6, $0x7  }
0x60: {  	v4 =	vsub.f32 v4, v13;
	[tilespmem:v5+s23+$0x0] =	vst.idx.add.f32.msk $0xffff, v7;
	v5 =	vshll.u32 v8, $0x7;
	v1 =	vor.u32 v1, v6  }
0x61: {  	v6 =	vsel vm0, $0xFFFFFFFF, v0;
	[tilespmem:v14+s23+$0x0] =	vst.idx.add.f32.msk $0xffff, v7;
	v2 =	vor.u32 v2, v5;
	v5 =	vshrl.u32 v24, $0x7  }
0x62: {  	s4 =	sshra.s32 s4, $0x2;
	v5 =	vadd.s32 v6, v5  }
0x63: {  	v5 =	vshll.u32 v5, $0x7  }
0x64: {  	v3 =	vor.u32 v3, v5;
	_ =	sdelay $0x1  }
0x65: {  	[tilespmem:v2+s23+$0x0] =	vst.idx.add.f32.msk $0xffff, v4  }
0x66: {  	[tilespmem:v1+s23+$0x0] =	vst.idx.add.f32.msk $0xffff, v4;
	_ =	sdelay $0x1  }
0x67: {  	[tilespmem:v3+s23+$0x0] =	vst.idx.add.f32.msk $0xffff, v4  }
0x68: {  	v4 =	vld [tilespmem:s4+$0xFE00]  }
0x69: {  	v3 =	vld [tilespmem:s4+$0x10000]  }
0x6a: {  	v2 =	vld [tilespmem:s4+$0xFC00];
	_ =	sdelay $0x2  }
0x6b: {  	v5 =	vshra.s32 v4, $0x1F;
	v1 =	vand.u32 $0x7F, v4;
	v7 =	vadd.s32 $0x1C00, v4  }
0x6c: {  	v5 =	vshrl.u32 v5, $0x19;
	v8 =	vshra.s32 v3, $0x1F;
	v6 =	vshra.s32 v7, $0x1F  }
0x6d: {  	v9 =	vadd.s32 v5, v4;
	v10 =	vadd.s32 $0x1C00, v2;
	v5 =	vshrl.u32 v6, $0x19  }
0x6e: {  	v6 =	vshra.s32 v2, $0x1F;
	v11 =	vand.u32 $0xFFFFFF80, v9;
	v5 =	vadd.s32 v5, v7  }
0x6f: {  	vm3 =	vlt.s32 v3, $0x1;
	v6 =	vshrl.u32 v6, $0x19;
	vm0 =	vne.s32 v4, v11  }
0x70: {  	v11 =	vadd.s32 v6, v2;
	v6 =	vshrl.u32 v9, $0x7;
	v9 =	vshra.s32 v10, $0x1F  }
0x71: {  	v8 =	vshrl.u32 v8, $0x19;
	v11 =	vshra.s32 v11, $0x7;
	v9 =	vshrl.u32 v9, $0x19  }
0x72: {  	vm1 =	vlt.s32 v2, $0x1;
	v13 =	vand.u32 $0xFFFFFF80, v5;
	v12 =	vshll.u32 v11, $0x7  }
0x73: {  	v8 =	vadd.s32 v8, v3;
	vm2 =	vne.s32 v2, v12;
	v12 =	vadd.s32 v9, v10  }
0x74: {  	vm4 =	vmand vm1, vm2;
	vm1 =	vlt.s32 v7, $0x1;
	vm2 =	vne.s32 v7, v13  }
0x75: {  	v13 =	vand.u32 $0xFFFFFF80, v12;
	v7 =	vsel vm4, $0xFFFFFFFF, v0;
	vm4 =	vlt.s32 v10, $0x1  }
.Ltmp0:
0x76: {  	vm5 =	vlt.s32 v4, $0x1;
	vm6 =	vne.s32 v10, v13;
	v9 =	vadd.s32 v7, v11;
	(pc) =	sbr.rel @p1 .LBB2_2-.Ltmp0, $4  }
0x77: {  	v11 =	vshrl.u32 v8, $0x7;
	v7 =	vand.u32 $0xFFFFFF80, v8;
	vm4 =	vmand vm4, vm6  }
0x78: {  	vm6 =	vne.s32 v3, v7;
	v7 =	vshrl.u32 v12, $0x7;
	v8 =	vsel vm4, $0xFFFFFFFF, v0  }
0x79: {  	v10 =	vadd.s32 $0x1C00, v3;
	vm3 =	vmand vm3, vm6;
	v7 =	vadd.s32 v8, v7  }
0x7a: {  	vm0 =	vmand vm5, vm0;
	v8 =	vshll.u32 v7, $0x7;
	v7 =	vadd.s32 $0x3800, v4  }
0x7b: {  	_ =	sdelay $0x1  }
0x7c: {  	v12 =	vshra.s32 v10, $0x1F  }
0x7d: {  	v14 =	vsel vm3, $0xFFFFFFFF, v0;
	vm1 =	vmand vm1, vm2;
	v17 =	vshra.s32 v7, $0x1F  }
0x7e: {  	v13 =	vld.idx.msk [tilespmem:v3+s26+$0x0], $0xffff;
	v20 =	vadd.s32 $0x3800, v2;
	v9 =	vshll.u32 v9, $0x7;
	v5 =	vshrl.u32 v5, $0x7  }
0x7f: {  	v16 =	vld.idx.msk [tilespmem:v2+s26+$0x0], $0xffff;
	vm3 =	vlt.s32 v7, $0x1;
	v12 =	vshrl.u32 v12, $0x19;
	v11 =	vadd.s32 v14, v11  }
0x80: {  	v19 =	vld.idx.msk [tilespmem:v4+s26+$0x0], $0xffff;
	v14 =	vsel vm1, $0xFFFFFFFF, v0;
	vm1 =	vlt.s32 v10, $0x1;
	v17 =	vshrl.u32 v17, $0x19  }
0x81: {  	vm4 =	vlt.s32 v20, $0x1;
	v12 =	vadd.s32 v12, v10;
	v11 =	vshll.u32 v11, $0x7  }
0x82: {  	v17 =	vadd.s32 v17, v7;
	v5 =	vadd.s32 v14, v5;
	v18 =	vand.u32 $0xFFFFFF80, v12  }
0x83: {  	v15 =	vld.idx.msk [tilespmem:v2+s24+$0x0], $0xffff;
	v12 =	vshrl.u32 v12, $0x7;
	v5 =	vshll.u32 v5, $0x7;
	vm2 =	vne.s32 v10, v18  }
0x84: {  	v23 =	vld.idx.msk [tilespmem:v3+s24+$0x0], $0xffff;
	v18 =	vshra.s32 v20, $0x1F;
	v5 =	vor.u32 v1, v5;
	vm1 =	vmand vm1, vm2  }
0x85: {  	v24 =	vld.idx.msk [tilespmem:v3+s3+$0x0], $0xffff;
	v18 =	vshrl.u32 v18, $0x19;
	v19 =	vsub.f32 v19, v16;
	v13 =	vsub.f32 v13, v16  }
0x86: {  	v10 =	vld.idx.msk [tilespmem:v4+s24+$0x0], $0xffff;
	v16 =	vadd.s32 $0x3800, v3;
	v3 =	vand.u32 $0x7F, v3;
	v21 =	vsel vm1, $0xFFFFFFFF, v0  }
0x87: {  	v4 =	vld.idx.msk [tilespmem:v4+s3+$0x0], $0xffff;
	v18 =	vadd.s32 v18, v20;
	v25 =	vshra.s32 v16, $0x1F;
	v11 =	vor.u32 v3, v11  }
0x88: {  	v12 =	vadd.s32 v21, v12;
	v21 =	vld.idx.msk [tilespmem:v2+s3+$0x0], $0xffff;
	v22 =	vand.u32 $0xFFFFFF80, v18;
	v18 =	vshrl.u32 v18, $0x7  }
0x89: {  	v2 =	vand.u32 $0x7F, v2;
	v12 =	vshll.u32 v12, $0x7;
	vm1 =	vne.s32 v20, v22  }
0x8a: {  	v22 =	vand.u32 $0xFFFFFF80, v17;
	v9 =	vor.u32 v2, v9;
	v8 =	vor.u32 v2, v8  }
0x8b: {  	v10 =	vsub.f32 v10, v15;
	vm2 =	vne.s32 v7, v22;
	v22 =	vsel vm0, $0xFFFFFFFF, v0  }
0x8c: {  	vm0 =	vlt.s32 v16, $0x1;
	v15 =	vsub.f32 v23, v15;
	v12 =	vor.u32 v3, v12  }
0x8d: {  	vm1 =	vmand vm4, vm1;
	v6 =	vadd.s32 v22, v6;
	v4 =	vsub.f32 v4, v21  }
0x8e: {  	v22 =	vshrl.u32 v25, $0x19;
	v26 =	vmul.f32 v13, v10;
	v21 =	vsub.f32 v24, v21  }
0x8f: {  	vm2 =	vmand vm3, vm2;
	v23 =	vmul.f32 v15, v19;
	v13 =	vmul.f32 v13, v4  }
0x90: {  	v6 =	vshll.u32 v6, $0x7;
	v4 =	vmul.f32 v15, v4;
	v15 =	vmul.f32 v21, v19  }
0x91: {  	v22 =	vadd.s32 v22, v16;
	v6 =	vor.u32 v1, v6;
	v14 =	vsub.f32 v26, v23  }
0x92: {  	v19 =	vsel vm2, $0xFFFFFFFF, v0;
	v7 =	vsub.f32 v15, v13;
	v15 =	vand.u32 $0xFFFFFF80, v22  }
0x93: {  	v13 =	vshrl.u32 v17, $0x7;
	v17 =	vsel vm1, $0xFFFFFFFF, v0;
	vm1 =	vne.s32 v16, v15  }
0x94: {  	v13 =	vadd.s32 v19, v13;
	v15 =	vadd.s32 v17, v18;
	vm0 =	vmand vm0, vm1  }
0x95: {  	[tilespmem:v9+s23+$0x0] =	vst.idx.add.f32.msk $0xffff, v14;
	v9 =	vshll.u32 v15, $0x7;
	v15 =	vshrl.u32 v22, $0x7;
	v16 =	vsel vm0, $0xFFFFFFFF, v0  }
0x96: {  	[tilespmem:v6+s23+$0x0] =	vst.idx.add.f32.msk $0xffff, v14;
	v6 =	vshll.u32 v13, $0x7;
	v2 =	vor.u32 v2, v9;
	v9 =	vadd.s32 v16, v15  }
0x97: {  	v10 =	vmul.f32 v21, v10;
	[tilespmem:v11+s23+$0x0] =	vst.idx.add.f32.msk $0xffff, v14;
	v1 =	vor.u32 v1, v6;
	v6 =	vshll.u32 v9, $0x7  }
0x98: {  	[tilespmem:v8+s23+$0x0] =	vst.idx.add.f32.msk $0xffff, v7;
	v3 =	vor.u32 v3, v6  }
0x99: {  	v4 =	vsub.f32 v4, v10;
	[tilespmem:v5+s23+$0x0] =	vst.idx.add.f32.msk $0xffff, v7  }
0x9a: {  	[tilespmem:v12+s23+$0x0] =	vst.idx.add.f32.msk $0xffff, v7  }
0x9b: {  	[tilespmem:v2+s23+$0x0] =	vst.idx.add.f32.msk $0xffff, v4  }
0x9c: {  	[tilespmem:v1+s23+$0x0] =	vst.idx.add.f32.msk $0xffff, v4  }
0x9d: {  	s0 =	simm.s32 $0x0;
	[tilespmem:v3+s23+$0x0] =	vst.idx.add.f32.msk $0xffff, v4  }
0x9e: {  	[tilespmem:s0], [sflag:$0x1] =	stream.linear.gather [hbm4b:s12+s0], $0x1C00, $0x38;
	[tilespmem:$0x10E80] =	vst v63  }
0x9f: {  	_ =	swait.ge [sflag:s22], $0x1C00  }
0xa0: {  	[sflag:s22] =	ssyncset.done $0x0  }
0xa1: {  	[sflag:s22] =	ssyncadd.s32 $0xFFFFE400  }
0xa2: {  	[tilespmem:s24], [sflag:$0x1] =	stream.linear.gather [hbm4b:s13+s0], $0x1C00, $0x38;
	[tilespmem:$0x10E80] =	vst v63  }
0xa3: {  	_ =	swait.ge [sflag:s22], $0x1C00  }
0xa4: {  	[sflag:s22] =	ssyncset.done $0x0  }
0xa5: {  	[sflag:s22] =	ssyncadd.s32 $0xFFFFE400  }
0xa6: {  	[tilespmem:s26], [sflag:$0x1] =	stream.linear.gather [hbm4b:s14+s0], $0x1C00, $0x38;
	[tilespmem:$0x10E80] =	vst v63  }
0xa7: {  	_ =	swait.ge [sflag:s22], $0x1C00  }
0xa8: {  	[sflag:s22] =	ssyncset.done $0x0  }
0xa9: {  	[sflag:s22] =	ssyncadd.s32 $0xFFFFE400  }
0xaa: {  	[tilespmem:s28], [sflag:$0x1] =	stream.linear.gather [hbm4b:s15+s0], $0x1B0, $0x38;
	[tilespmem:$0x10E80] =	vst v63  }
0xab: {  	_ =	swait.ge [sflag:s22], $0x1B0  }
0xac: {  	[sflag:s22] =	ssyncset.done $0x0  }
0xad: {  	[sflag:s22] =	ssyncadd.s32 $0xFFFFFE50  }
0xae: {  	[tilespmem:s29], [sflag:$0x1] =	stream.linear.gather [hbm4b:s16+s0], $0x1B0, $0x38;
	[tilespmem:$0x10E80] =	vst v63  }
0xaf: {  	_ =	swait.ge [sflag:s22], $0x1B0  }
0xb0: {  	[sflag:s22] =	ssyncset.done $0x0  }
0xb1: {  	[sflag:s22] =	ssyncadd.s32 $0xFFFFFE50  }
0xb2: {  	[tilespmem:s30], [sflag:$0x1] =	stream.linear.gather [hbm4b:s17+s0], $0x1B0, $0x38;
	[tilespmem:$0x10E80] =	vst v63  }
0xb3: {  	_ =	swait.ge [sflag:s22], $0x1B0  }
0xb4: {  	[sflag:s22] =	ssyncset.done $0x0  }
0xb5: {  	s21 =	simm.s32 $0x0;
	[sflag:s22] =	ssyncadd.s32 $0xFFFFFE50  }
0xb6: {  	v3 =	vld [tilespmem:s21+$0xFE00]  }
0xb7: {  	v4 =	vld [tilespmem:s21+$0xFC00]  }
0xb8: {  	v1 =	vld [tilespmem:s21+$0x10000];
	_ =	sdelay $0x4  }
0xb9: {  	v2 =	vadd.s32 $0x8C00, v3;
	v5 =	vadd.s32 $0x5400, v4;
	v8 =	vadd.s32 $0x5400, v1  }
0xba: {  	v12 =	vadd.s32 $0x7000, v3;
	v11 =	vadd.s32 $0x7000, v4;
	v14 =	vadd.s32 $0x5400, v3  }
0xbb: {  	v6 =	vshra.s32 v2, $0x1F;
	v7 =	vshra.s32 v5, $0x1F;
	v9 =	vshra.s32 v8, $0x1F  }
0xbc: {  	vm1 =	vlt.s32 v12, $0x1;
	vm0 =	vlt.s32 v5, $0x1;
	v7 =	vshrl.u32 v7, $0x19  }
0xbd: {  	vm4 =	vlt.s32 v14, $0x1;
	v9 =	vshrl.u32 v9, $0x19;
	v7 =	vadd.s32 v7, v5  }
0xbe: {  	v6 =	vshrl.u32 v6, $0x19;
	v9 =	vadd.s32 v9, v8;
	v7 =	vshra.s32 v7, $0x7  }
0xbf: {  	v6 =	vadd.s32 v6, v2;
	v10 =	vand.u32 $0xFFFFFF80, v9;
	v13 =	vshll.u32 v7, $0x7  }
0xc0: {  	vm2 =	vne.s32 v8, v10;
	v10 =	vshra.s32 v11, $0x1F;
	vm3 =	vne.s32 v5, v13  }
0xc1: {  	v5 =	vshrl.u32 v9, $0x7;
	v13 =	vshra.s32 v14, $0x1F;
	vm0 =	vmand vm0, vm3  }
0xc2: {  	v10 =	vshrl.u32 v10, $0x19;
	v13 =	vshrl.u32 v13, $0x19;
	v15 =	vsel vm0, $0xFFFFFFFF, v0  }
0xc3: {  	v20 =	vld.idx.msk [tilespmem:v4+s26+$0x0], $0xffff;
	vm0 =	vlt.s32 v8, $0x1;
	v8 =	vadd.s32 v10, v11;
	v21 =	vadd.s32 v13, v14  }
0xc4: {  	v9 =	vld.idx.msk [tilespmem:v3+s26+$0x0], $0xffff;
	v13 =	vadd.s32 $0x7000, v1;
	v7 =	vadd.s32 v15, v7;
	vm0 =	vmand vm0, vm2  }
0xc5: {  	v22 =	vand.u32 $0xFFFFFF80, v21;
	v10 =	vand.u32 $0xFFFFFF80, v8;
	v15 =	vshra.s32 v12, $0x1F  }
0xc6: {  	vm2 =	vlt.s32 v11, $0x1;
	v23 =	vshrl.u32 v8, $0x7;
	v18 =	vshll.u32 v7, $0x7  }
0xc7: {  	v16 =	vld.idx.msk [tilespmem:v4+s24+$0x0], $0xffff;
	v7 =	vsel vm0, $0xFFFFFFFF, v0;
	v24 =	vshrl.u32 v15, $0x19;
	vm3 =	vne.s32 v11, v10  }
0xc8: {  	v11 =	vld.idx.msk [tilespmem:v3+s24+$0x0], $0xffff;
	v10 =	vshra.s32 v13, $0x1F;
	v17 =	vadd.s32 v7, v5;
	v7 =	vadd.s32 $0x8C00, v1  }
0xc9: {  	v5 =	vsub.f32 v9, v20;
	v9 =	vld.idx.msk [tilespmem:v1+s26+$0x0], $0xffff;
	vm2 =	vmand vm2, vm3;
	v8 =	vshrl.u32 v10, $0x19  }
0xca: {  	v10 =	vand.u32 $0x7F, v3;
	vm3 =	vne.s32 v14, v22;
	vm0 =	vlt.s32 v7, $0x1  }
0xcb: {  	v19 =	vshll.u32 v17, $0x7;
	v15 =	vshra.s32 v7, $0x1F;
	v25 =	vsel vm2, $0xFFFFFFFF, v0  }
0xcc: {  	v17 =	vadd.s32 v8, v13;
	vm2 =	vlt.s32 v2, $0x1;
	v23 =	vadd.s32 v25, v23  }
0xcd: {  	v22 =	vld.idx.msk [tilespmem:v1+s24+$0x0], $0xffff;
	v8 =	vand.u32 $0x7F, v1;
	vm3 =	vmand vm4, vm3;
	v14 =	vshll.u32 v23, $0x7  }
0xce: {  	s0 =	simm.s32 $0x40;
	v23 =	vadd.s32 $0x8C00, v4;
	v11 =	vsub.f32 v11, v16;
	v20 =	vsub.f32 v9, v20;
	v9 =	vld.idx.msk [tilespmem:v4+s3+$0x0], $0xffff  }
.LBB2_4:
0xcf: {  	p1 =	sne.s32 s0, $0x680;
	v25 =	vsel vm3, $0xFFFFFFFF, v0;
	v24 =	vadd.s32 v24, v12;
	v26 =	vshra.s32 v23, $0x1F;
	s4 =	smov.u32 s0;
	s0 =	sadd.s32 $0x40, s0  }
0xd0: {  	vm3 =	vlt.s32 v23, $0x1;
	v27 =	vmul.f32 v20, v11;
	v28 =	vand.u32 $0xFFFFFF80, v24  }
0xd1: {  	v21 =	vshrl.u32 v21, $0x7;
	vm4 =	vne.s32 v12, v28;
	v12 =	vshrl.u32 v26, $0x19  }
0xd2: {  	v16 =	vsub.f32 v22, v16;
	v4 =	vand.u32 $0x7F, v4;
	v3 =	vld.idx.msk [tilespmem:v3+s3+$0x0], $0xffff;
	v12 =	vadd.s32 v12, v23  }
0xd3: {  	v22 =	vshrl.u32 v24, $0x7;
	v24 =	vshrl.u32 v6, $0x7;
	vm1 =	vmand vm1, vm4  }
0xd4: {  	v18 =	vor.u32 v4, v18;
	v21 =	vadd.s32 v25, v21;
	v25 =	vsel vm1, $0xFFFFFFFF, v0  }
0xd5: {  	v6 =	vand.u32 $0xFFFFFF80, v6;
	v22 =	vadd.s32 v25, v22;
	v25 =	vshrl.u32 v12, $0x7  }
0xd6: {  	v21 =	vshll.u32 v21, $0x7;
	v12 =	vand.u32 $0xFFFFFF80, v12;
	v22 =	vshll.u32 v22, $0x7  }
0xd7: {  	v26 =	vmul.f32 v16, v5;
	v21 =	vor.u32 v10, v21;
	v22 =	vor.u32 v10, v22  }
0xd8: {  	v19 =	vor.u32 v8, v19;
	vm1 =	vne.s32 v23, v12;
	v3 =	vsub.f32 v3, v9  }
0xd9: {  	v12 =	vsub.f32 v27, v26;
	vm1 =	vmand vm3, vm1;
	vm3 =	vne.s32 v2, v6  }
0xda: {  	v6 =	vand.u32 $0xFFFFFF80, v17;
	vm2 =	vmand vm2, vm3;
	v2 =	vmul.f32 v20, v3;
	v1 =	vld.idx.msk [tilespmem:v1+s3+$0x0], $0xffff  }
0xdb: {  	vm3 =	vlt.s32 v13, $0x1;
	vm4 =	vne.s32 v13, v6;
	v6 =	vsel vm2, $0xFFFFFFFF, v0;
	[tilespmem:v18+s23+$0x0] =	vst.idx.add.f32.msk $0xffff, v12  }
0xdc: {  	v15 =	vshrl.u32 v15, $0x19;
	v13 =	vsel vm1, $0xFFFFFFFF, v0;
	vm2 =	vmand vm3, vm4;
	[tilespmem:v21+s23+$0x0] =	vst.idx.add.f32.msk $0xffff, v12  }
0xdd: {  	v15 =	vadd.s32 v15, v7;
	[tilespmem:v19+s23+$0x0] =	vst.idx.add.f32.msk $0xffff, v12;
	v12 =	vshrl.u32 v17, $0x7;
	v17 =	vsel vm2, $0xFFFFFFFF, v0  }
0xde: {  	v13 =	vadd.s32 v13, v25;
	v12 =	vadd.s32 v17, v12;
	v17 =	vand.u32 $0xFFFFFF80, v15  }
0xdf: {  	v13 =	vshll.u32 v13, $0x7;
	v12 =	vshll.u32 v12, $0x7;
	vm1 =	vne.s32 v7, v17  }
0xe0: {  	v1 =	vsub.f32 v1, v9;
	v7 =	vor.u32 v8, v12;
	vm0 =	vmand vm0, vm1  }
0xe1: {  	v6 =	vadd.s32 v6, v24;
	v9 =	vor.u32 v4, v14;
	v12 =	vsel vm0, $0xFFFFFFFF, v0  }
0xe2: {  	v6 =	vshll.u32 v6, $0x7;
	v14 =	vshrl.u32 v15, $0x7;
	v5 =	vmul.f32 v1, v5  }
0xe3: {  	v6 =	vor.u32 v10, v6;
	v4 =	vor.u32 v4, v13;
	v10 =	vadd.s32 v12, v14  }
0xe4: {  	v3 =	vmul.f32 v16, v3;
	v2 =	vsub.f32 v5, v2;
	v5 =	vshll.u32 v10, $0x7  }
0xe5: {  	v1 =	vmul.f32 v1, v11;
	v5 =	vor.u32 v8, v5  }
0xe6: {  	[tilespmem:v9+s23+$0x0] =	vst.idx.add.f32.msk $0xffff, v2  }
0xe7: {  	v1 =	vsub.f32 v3, v1;
	[tilespmem:v22+s23+$0x0] =	vst.idx.add.f32.msk $0xffff, v2  }
0xe8: {  	[tilespmem:v7+s23+$0x0] =	vst.idx.add.f32.msk $0xffff, v2  }
0xe9: {  	[tilespmem:v4+s23+$0x0] =	vst.idx.add.f32.msk $0xffff, v1  }
0xea: {  	s4 =	sshra.s32 s4, $0x2;
	[tilespmem:v6+s23+$0x0] =	vst.idx.add.f32.msk $0xffff, v1  }
0xeb: {  	[tilespmem:v5+s23+$0x0] =	vst.idx.add.f32.msk $0xffff, v1  }
0xec: {  	v3 =	vld [tilespmem:s4+$0xFE00]  }
0xed: {  	v4 =	vld [tilespmem:s4+$0xFC00]  }
0xee: {  	v1 =	vld [tilespmem:s4+$0x10000];
	_ =	sdelay $0x2  }
0xef: {  	v2 =	vadd.s32 $0x8C00, v3  }
0xf0: {  	v5 =	vadd.s32 $0x5400, v4;
	v6 =	vshra.s32 v2, $0x1F  }
0xf1: {  	v7 =	vshra.s32 v5, $0x1F;
	v8 =	vadd.s32 $0x5400, v1;
	v6 =	vshrl.u32 v6, $0x19  }
0xf2: {  	v12 =	vadd.s32 $0x7000, v3;
	v9 =	vshra.s32 v8, $0x1F;
	v6 =	vadd.s32 v6, v2  }
0xf3: {  	vm1 =	vlt.s32 v12, $0x1;
	v7 =	vshrl.u32 v7, $0x19;
	v16 =	vld.idx.msk [tilespmem:v4+s24+$0x0], $0xffff;
	v9 =	vshrl.u32 v9, $0x19  }
0xf4: {  	vm0 =	vlt.s32 v5, $0x1;
	v7 =	vadd.s32 v7, v5;
	v11 =	vld.idx.msk [tilespmem:v3+s24+$0x0], $0xffff;
	v9 =	vadd.s32 v9, v8  }
0xf5: {  	v14 =	vadd.s32 $0x7000, v4;
	v7 =	vshra.s32 v7, $0x7;
	v10 =	vld.idx.msk [tilespmem:v3+s26+$0x0], $0xffff;
	v13 =	vand.u32 $0xFFFFFF80, v9  }
0xf6: {  	v15 =	vshll.u32 v7, $0x7;
	v20 =	vld.idx.msk [tilespmem:v4+s26+$0x0], $0xffff;
	vm2 =	vne.s32 v8, v13;
	v13 =	vshra.s32 v14, $0x1F  }
0xf7: {  	v23 =	vadd.s32 $0x5400, v3;
	vm3 =	vne.s32 v5, v15;
	v5 =	vshrl.u32 v9, $0x7;
	v22 =	vld.idx.msk [tilespmem:v1+s24+$0x0], $0xffff  }
0xf8: {  	v15 =	vshra.s32 v23, $0x1F;
	vm0 =	vmand vm0, vm3;
	v13 =	vshrl.u32 v13, $0x19  }
0xf9: {  	v15 =	vshrl.u32 v15, $0x19;
	v17 =	vsel vm0, $0xFFFFFFFF, v0;
	vm0 =	vlt.s32 v8, $0x1;
	v9 =	vld.idx.msk [tilespmem:v4+s3+$0x0], $0xffff  }
0xfa: {  	v8 =	vadd.s32 v13, v14;
	v7 =	vadd.s32 v17, v7;
	vm0 =	vmand vm0, vm2  }
0xfb: {  	v21 =	vadd.s32 v15, v23;
	v18 =	vshll.u32 v7, $0x7;
	v7 =	vsel vm0, $0xFFFFFFFF, v0  }
0xfc: {  	v25 =	vand.u32 $0xFFFFFF80, v21;
	v15 =	vand.u32 $0xFFFFFF80, v8;
	v17 =	vshra.s32 v12, $0x1F  }
0xfd: {  	v13 =	vadd.s32 $0x7000, v1;
	v19 =	vadd.s32 v7, v5;
	v7 =	vadd.s32 $0x8C00, v1  }
0xfe: {  	v24 =	vshrl.u32 v17, $0x19;
	v5 =	vsub.f32 v10, v20;
	vm0 =	vlt.s32 v7, $0x1;
	v26 =	vld.idx.msk [tilespmem:v1+s26+$0x0], $0xffff  }
0xff: {  	vm2 =	vlt.s32 v14, $0x1;
	vm3 =	vne.s32 v14, v15;
	v19 =	vshll.u32 v19, $0x7  }
0x100: {  	vm2 =	vmand vm2, vm3;
	v10 =	vshra.s32 v13, $0x1F;
	v15 =	vshra.s32 v7, $0x1F  }
.Ltmp1:
0x101: {  	v14 =	vshrl.u32 v8, $0x7;
	v27 =	vsel vm2, $0xFFFFFFFF, v0;
	v8 =	vshrl.u32 v10, $0x19;
	(pc) =	sbr.rel @p1 .LBB2_4-.Ltmp1, $4  }
0x102: {  	v10 =	vand.u32 $0x7F, v3;
	vm2 =	vlt.s32 v2, $0x1;
	v17 =	vadd.s32 v8, v13  }
0x103: {  	vm3 =	vne.s32 v23, v25;
	v8 =	vand.u32 $0x7F, v1;
	v14 =	vadd.s32 v27, v14  }
0x104: {  	vm4 =	vlt.s32 v23, $0x1;
	v14 =	vshll.u32 v14, $0x7;
	v20 =	vsub.f32 v26, v20  }
0x105: {  	v11 =	vsub.f32 v11, v16;
	v23 =	vadd.s32 $0x8C00, v4;
	vm3 =	vmand vm4, vm3  }
0x106: {  	v25 =	vsel vm3, $0xFFFFFFFF, v0;
	v24 =	vadd.s32 v24, v12  }
0x107: {  	v26 =	vshra.s32 v23, $0x1F;
	vm9 =	vlt.s32 v23, $0x1;
	v21 =	vshrl.u32 v21, $0x7  }
0x108: {  	v16 =	vsub.f32 v22, v16;
	v4 =	vand.u32 $0x7F, v4;
	v45 =	vshrl.u32 v6, $0x7  }
0x109: {  	v48 =	vand.u32 $0xFFFFFF80, v6;
	v19 =	vor.u32 v8, v19;
	vm12 =	vlt.s32 v13, $0x1  }
0x10a: {  	v52 =	vshrl.u32 v15, $0x19;
	v53 =	vshrl.u32 v17, $0x7;
	v27 =	vmul.f32 v20, v11  }
0x10b: {  	v28 =	vand.u32 $0xFFFFFF80, v24;
	v43 =	vshrl.u32 v26, $0x19;
	v44 =	vshrl.u32 v24, $0x7  }
0x10c: {  	v18 =	vor.u32 v4, v18;
	v21 =	vadd.s32 v25, v21;
	vm11 =	vne.s32 v2, v48  }
0x10d: {  	v2 =	vand.u32 $0xFFFFFF80, v17;
	v59 =	vor.u32 v4, v14;
	vm4 =	vne.s32 v12, v28  }
0x10e: {  	v12 =	vadd.s32 v43, v23;
	v21 =	vshll.u32 v21, $0x7;
	v49 =	vmul.f32 v16, v5  }
0x10f: {  	vm2 =	vmand vm2, vm11;
	vm13 =	vne.s32 v13, v2;
	v13 =	vadd.s32 v52, v7  }
0x110: {  	v3 =	vld.idx.msk [tilespmem:v3+s3+$0x0], $0xffff;
	vm1 =	vmand vm1, vm4;
	v47 =	vshrl.u32 v12, $0x7;
	v12 =	vand.u32 $0xFFFFFF80, v12  }
0x111: {  	v1 =	vld.idx.msk [tilespmem:v1+s3+$0x0], $0xffff;
	v21 =	vor.u32 v10, v21;
	v51 =	vsel vm2, $0xFFFFFFFF, v0;
	vm14 =	vmand vm12, vm13  }
0x112: {  	v57 =	vand.u32 $0xFFFFFF80, v13;
	v13 =	vshrl.u32 v13, $0x7;
	v46 =	vsel vm1, $0xFFFFFFFF, v0  }
0x113: {  	vm10 =	vne.s32 v23, v12;
	v50 =	vsub.f32 v27, v49;
	v54 =	vsel vm14, $0xFFFFFFFF, v0  }
0x114: {  	vm15 =	vne.s32 v7, v57;
	v6 =	vadd.s32 v51, v45;
	v22 =	vadd.s32 v46, v44  }
0x115: {  	v3 =	vsub.f32 v3, v9;
	vm1 =	vmand vm9, vm10;
	v15 =	vadd.s32 v54, v53  }
0x116: {  	v1 =	vsub.f32 v1, v9;
	vm0 =	vmand vm0, vm15;
	v6 =	vshll.u32 v6, $0x7  }
0x117: {  	v22 =	vshll.u32 v22, $0x7;
	v55 =	vsel vm1, $0xFFFFFFFF, v0;
	v15 =	vshll.u32 v15, $0x7  }
0x118: {  	v60 =	vsel vm0, $0xFFFFFFFF, v0;
	v6 =	vor.u32 v10, v6;
	v22 =	vor.u32 v10, v22  }
0x119: {  	v2 =	vmul.f32 v20, v3;
	v56 =	vadd.s32 v55, v47;
	v61 =	vmul.f32 v1, v5  }
0x11a: {  	[tilespmem:v18+s23+$0x0] =	vst.idx.add.f32.msk $0xffff, v50;
	v58 =	vor.u32 v8, v15;
	v62 =	vadd.s32 v60, v13;
	v17 =	vshll.u32 v56, $0x7  }
0x11b: {  	[tilespmem:v21+s23+$0x0] =	vst.idx.add.f32.msk $0xffff, v50;
	v4 =	vor.u32 v4, v17;
	v2 =	vsub.f32 v61, v2  }
0x11c: {  	v3 =	vmul.f32 v16, v3;
	v1 =	vmul.f32 v1, v11;
	v63 =	vshll.u32 v62, $0x7;
	[tilespmem:v19+s23+$0x0] =	vst.idx.add.f32.msk $0xffff, v50  }
0x11d: {  	v5 =	vor.u32 v8, v63;
	[tilespmem:v59+s23+$0x0] =	vst.idx.add.f32.msk $0xffff, v2  }
0x11e: {  	v1 =	vsub.f32 v3, v1;
	[tilespmem:v22+s23+$0x0] =	vst.idx.add.f32.msk $0xffff, v2  }
0x11f: {  	[tilespmem:v58+s23+$0x0] =	vst.idx.add.f32.msk $0xffff, v2  }
0x120: {  	[tilespmem:v4+s23+$0x0] =	vst.idx.add.f32.msk $0xffff, v1  }
0x121: {  	[tilespmem:v6+s23+$0x0] =	vst.idx.add.f32.msk $0xffff, v1  }
0x122: {  	s0 =	simm.s32 @p0 $0x5400;
	[tilespmem:v5+s23+$0x0] =	vst.idx.add.f32.msk $0xffff, v1  }
0x123: {  	[spmem:s2] =	stream.linear.scatter @p0 [tilespmem:s0], [sflag:$0x1], $0xA800, $0x38;
	[tilespmem:$0x10E80] =	vst v63  }
0x124: {  	s0 =	simm.s32 @p0 $0x1  }
0x125: {  	_ =	swait.ge @p0 [sflag:s0], $0xA800  }
0x126: {  	[sflag:s0] =	ssyncset.done @p0 $0x0  }
0x127: {  	[sflag:s0] =	ssyncadd.s32 @p0 $0xFFFF5800  }
0x128: {  	[bflag:$0x0] =	sbarrier.arrive @p0 $0xFFFF  }
0x129: {  	s4 =	sshrl.u32 @p0 s2, $0x3;
	s21 =	simm.s32 @p0 $0x1C01;
	[bflag:$0x0] =	sbarrier.arrive @p0 $0xFFFF  }
0x12a: {  	[hbm:s18], [sflag:s21] =	dma.local @p0 [spmem:s4], $0xA80  }
0x12b: {  	_ =	swait.ge @p0 [sflag:s0], $0xA80  }
0x12c: {  	[sflag:s0] =	ssyncset.done @p0 $0x0  }
0x12d: {  	[sflag:s0] =	ssyncadd.s32 @p0 $0xFFFFF580  }
0x12e: {  	[hbm:s19], [sflag:s21] =	dma.local @p0 [spmem:s25], $0xA80  }
0x12f: {  	_ =	swait.ge @p0 [sflag:s0], $0xA80  }
0x130: {  	[sflag:s0] =	ssyncset.done @p0 $0x0  }
0x131: {  	s4 =	simm.s32 @!p0 $0x10200;
	[sflag:s0] =	ssyncadd.s32 @p0 $0xFFFFF580  }
0x132: {  	s21 =	simm.s32 @!p0 $0x5400;
	s0 =	simm.s32 @!p0 $0x70;
	[bflag:$0x0] =	sbarrier.arrive @!p0 $0xFFFF  }
0x133: {  	[spmem:s2] =	stream.indirect.scatter.add.f32 @!p0 [tilespmem:s21], [sflag:$0x1], $0x80, s4, s0, $0xb8;
	[tilespmem:$0x10E80] =	vst v63  }
0x134: {  	s4 =	simm.s32 @!p0 $0x1  }
0x135: {  	_ =	swait.ge @!p0 [sflag:s4], $0x3800  }
0x136: {  	[sflag:s4] =	ssyncset.done @!p0 $0x0  }
0x137: {  	s1 =	simm.s32 @!p0 $0x8C00;
	s21 =	simm.s32 @!p0 $0x10280;
	[sflag:s4] =	ssyncadd.s32 @!p0 $0xFFFFC800  }
0x138: {  	[spmem:s2] =	stream.indirect.scatter.add.f32 @!p0 [tilespmem:s1], [sflag:$0x1], $0x80, s21, s0, $0xb8;
	[tilespmem:$0x10E80] =	vst v63  }
0x139: {  	s31 =	sadd.s32 $0x1, s31;
	_ =	swait.ge @!p0 [sflag:s4], $0x3800  }
0x13a: {  	p1 =	sne.s32 s31, s20;
	[sflag:s4] =	ssyncset.done @!p0 $0x0  }
0x13b: {  	s1 =	simm.s32 @!p0 $0x10300;
	s21 =	simm.s32 @!p0 $0xC400;
	[sflag:s4] =	ssyncadd.s32 @!p0 $0xFFFFC800  }
0x13c: {  	[spmem:s2] =	stream.indirect.scatter.add.f32 @!p0 [tilespmem:s21], [sflag:$0x1], $0x80, s1, s0, $0xb8;
	[tilespmem:$0x10E80] =	vst v63  }
.Ltmp2:
0x13d: {  	_ =	swait.ge @!p0 [sflag:s4], $0x3800;
	(pc) =	sbr.rel @p1 .LBB2_1-.Ltmp2, $3  }
0x13e: {  	[sflag:s4] =	ssyncset.done @!p0 $0x0  }
0x13f: {  	[sflag:s4] =	ssyncadd.s32 @!p0 $0xFFFFC800  }
0x140: {  	[bflag:$0x0] =	sbarrier.arrive @!p0 $0xFFFF;
	_ =	sdelay $0x1  }
0x141: {  	_ =	sfence.sel $0x180000  }
0x142: {  	[bflag:$0x0] =	sbarrier.arrive $0xFFFF  }
0x143: {  	_ =	strace $0x90000047  }
0x144: {  	s0 =	stileid.u32;
	[bflag:$0x2] =	sbarrier.arrive $0xFFFF  }
0x145: {  	p0 =	sne.s32 s0, $0x0;
	s0 =	rddreg [dreg:$0x2]  }
0x146: {  	s0 =	sadd.s32 @!p0 $0x100000, s0  }
0x147: {  	[sflag:s0] =	ssyncadd.tile.s32 @!p0 $0x1;
	_ =	shalt  }
.Lfunc_end2:
_tile_overlayer_lowered:
.L_overlay_start_2:
0x148: {  	(tag) =	ssettag $0x2  }
0x149: {  	s0 =	rddreg [dreg:$0x0];
	s2 =	stileid.u32  }
0x14a: {  	s1 =	rddreg [dreg:$0x1];
	p0 =	sne.s32 s2, $0x0  }
0x14b: {  	s3 =	rddreg [dreg:$0x2];
	[bflag:$0x3] =	sbarrier.arrive $0xFFFF;
	s2 =	simm.s32 @!p0 $0x1C01  }
0x14c: {  	[timem:s3], [sflag:s2] =	dma.local @!p0 [hbm:s0], s1  }
0x14d: {  	s0 =	simm.s32 @!p0 $0x1  }
0x14e: {  	_ =	swait.ge @!p0 [sflag:s0], s1  }
0x14f: {  	s1 =	ssub.s32 @!p0 $0x0, s1;
	[sflag:s0] =	ssyncset.done @!p0 $0x0  }
0x150: {  	[sflag:s0] =	ssyncadd.s32 @!p0 s1  }
0x151: {  	[bflag:$0x3] =	sbarrier.arrive $0xFFFF  }
0x152: {  	_ =	shalt  }

</sc_bundles>
